<compile_context>
chip_gen: v7x
topology: tpu7x:2x2x1
jax: 0.10.2.dev20260603
libtpu: 0.0.44.dev20260713+nightly
codegen_flags: <defaults>
</compile_context>

<pallas_src>
import functools

import jax
import jax.numpy as jnp
from jax import lax
from jax.experimental import pallas as pl
from jax.experimental.pallas import tpu as pltpu
from jax.experimental.pallas import tpu_sc as plsc

N = 10000
E = 320000
D = 128

NC = 2
NS = 16
NW = NC * NS
EPW = E // NW
K = 80
NCHUNK = EPW // K
NSLOT = 4
NPAD = 10112
RPS = NPAD // NS


def _mlp_body(x_ref, w0t_ref, b0_ref, w1t_ref, b1_ref, o_ref):
    h = jnp.dot(x_ref[...], w0t_ref[...], preferred_element_type=jnp.float32)
    h = h + b0_ref[...]
    h = jnp.dot(h, w1t_ref[...], preferred_element_type=jnp.float32)
    h = h + b1_ref[...]
    o_ref[...] = jnp.where(h > 0, h, jnp.exp(jnp.minimum(h, 0.0)) - 1.0)


def _mlp(x, w0t, b0, w1t, b1):
    BN = 1000
    return pl.pallas_call(
        _mlp_body,
        grid=(N // BN,),
        in_specs=[
            pl.BlockSpec((BN, D), lambda i: (i, 0)),
            pl.BlockSpec((D, D), lambda i: (0, 0)),
            pl.BlockSpec((1, D), lambda i: (0, 0)),
            pl.BlockSpec((D, D), lambda i: (0, 0)),
            pl.BlockSpec((1, D), lambda i: (0, 0)),
        ],
        out_specs=pl.BlockSpec((BN, D), lambda i: (i, 0)),
        out_shape=jax.ShapeDtypeStruct((N, D), jnp.float32),
    )(x, w0t, b0, w1t, b1)


def _sc_agg(emb, idx, zeros):
    mesh = plsc.VectorSubcoreMesh(core_axis_name="c", subcore_axis_name="s")

    @functools.partial(
        pl.kernel,
        out_type=jax.ShapeDtypeStruct((NC, NPAD, D), jnp.float32),
        mesh=mesh,
        scratch_types=[
            pltpu.VMEM((NSLOT, 2, K), jnp.int32),
            pltpu.VMEM((NSLOT, K, D), jnp.float32),
            pltpu.VMEM_SHARED((NPAD, D), jnp.float32),
        ] + [pltpu.SemaphoreType.DMA] * (2 * NSLOT),
    )
    def k(emb_hbm, idx_hbm, z_hbm, out_hbm, ib, rows, acc, *sems):
        si = sems[:NSLOT]
        sg = sems[NSLOT:]
        c = lax.axis_index("c")
        s = lax.axis_index("s")
        wid = c * NS + s

        for r in range(NSLOT):
            pltpu.async_copy(idx_hbm.at[wid, r], ib.at[r], si[r])
        pltpu.sync_copy(z_hbm, acc.at[pl.ds(s * RPS, RPS)])
        plsc.subcore_barrier()

        for r in range(NSLOT - 1):
            pltpu.make_async_copy(idx_hbm.at[wid, r], ib.at[r], si[r]).wait()
            pltpu.async_copy(emb_hbm.at[ib.at[r, 0]], rows.at[r], sg[r])

        @pl.loop(0, NCHUNK // NSLOT)
        def _(j):
            c0 = NSLOT * j
            for r in range(NSLOT):
                ch = c0 + r
                r3 = (r + NSLOT - 1) % NSLOT
                pltpu.make_async_copy(
                    emb_hbm.at[ib.at[r, 0]], rows.at[r], sg[r]).wait()
                pltpu.sync_copy(rows.at[r], acc.at[ib.at[r, 1]], add=True)

                @pl.when(ch + NSLOT < NCHUNK)
                def _():
                    pltpu.async_copy(idx_hbm.at[wid, ch + NSLOT], ib.at[r], si[r])

                @pl.when(ch + NSLOT - 1 < NCHUNK)
                def _():
                    pltpu.make_async_copy(
                        idx_hbm.at[wid, ch + NSLOT - 1], ib.at[r3], si[r3]).wait()
                    pltpu.async_copy(emb_hbm.at[ib.at[r3, 0]], rows.at[r3], sg[r3])

        for r in range(NCHUNK % NSLOT):
            pltpu.make_async_copy(
                emb_hbm.at[ib.at[r, 0]], rows.at[r], sg[r]).wait()
            pltpu.sync_copy(rows.at[r], acc.at[ib.at[r, 1]], add=True)

        plsc.subcore_barrier()
        plsc.subcore_barrier()
        pltpu.sync_copy(
            acc.at[pl.ds(s * RPS, RPS)],
            out_hbm.at[c, pl.ds(s * RPS, RPS)],
        )

    return k(emb, idx, zeros)


def _add_body(p_ref, o_ref):
    o_ref[...] = p_ref[0] + p_ref[1]


def _partial_add(p):
    BN = 1000
    return pl.pallas_call(
        _add_body,
        grid=(N // BN,),
        in_specs=[pl.BlockSpec((NC, BN, D), lambda i: (0, i, 0))],
        out_specs=pl.BlockSpec((BN, D), lambda i: (i, 0)),
        out_shape=jax.ShapeDtypeStruct((N, D), jnp.float32),
    )(p)


def kernel(graph_embedding, edge_index, W0, b0, W1, b1):
    x = graph_embedding.astype(jnp.float32)
    emb = _mlp(x, W0.T, b0.reshape(1, D), W1.T, b1.reshape(1, D))
    idx = edge_index.astype(jnp.int32).reshape(2, NW, NCHUNK, K)
    idx = jnp.transpose(idx, (1, 2, 0, 3))
    zeros = jnp.zeros((RPS, D), jnp.float32)
    partials = _sc_agg(emb, idx, zeros)
    return _partial_add(partials)

# --- scband reference (transcript-rebuilt; emitter-appended) ---
"""Pipeline reference for scband-node-bottle-net-21534966022302 (READ-ONLY COPY).

The authoritative reference and input builder live on the scoring server;
editing this copy changes nothing except your own understanding.
"""

import jax, jax.numpy as jnp
import numpy as np

N = 10000
E = 320000
D_IN = 128
D_HID = 128
D_OUT = 128


def setup_inputs(seed: int = 0) -> dict:
    key = jax.random.key(seed)
    k1, k2, k3, k4 = jax.random.split(key, 4)
    graph_embedding = jax.random.normal(k1, (N, D_IN), dtype=jnp.float32)
    edge_index = jax.random.randint(k2, (2, E), 0, N)
    W0 = jax.random.normal(k3, (D_HID, D_IN), dtype=jnp.float32) * 0.05
    b0 = jnp.zeros((D_HID,), dtype=jnp.float32)
    W1 = jax.random.normal(k4, (D_OUT, D_HID), dtype=jnp.float32) * 0.05
    b1 = jnp.zeros((D_OUT,), dtype=jnp.float32)
    return {"graph_embedding": graph_embedding, "edge_index": edge_index, "W0": W0, "b0": b0, "W1": W1, "b1": b1}


def reference(graph_embedding, edge_index, W0, b0, W1, b1):
    # emb = F.elu(linear1(linear0(x)))
    h = graph_embedding @ W0.T + b0
    h = h @ W1.T + b1
    emb = jax.nn.elu(h)
    # DGL update_all(copy_u('ft','m'), sum('m','ft')):
    # out[dst] = sum over incoming edges of emb[src]
    src = edge_index[0]
    dst = edge_index[1]
    messages = jnp.take(emb, src, axis=0)
    out = jax.ops.segment_sum(messages, dst, num_segments=N)
    return out

if __name__ == "__main__":
    import jax
    _d = setup_inputs()
    print(jax.jit(kernel)(*tuple(_d.values())))

</pallas_src>

<mosaic_0001>
#map = affine_map<(d0, d1) -> (0, 0)>
#map1 = affine_map<(d0, d1) -> (0, 0, 0, 0)>
#map2 = affine_map<(d0, d1) -> (0, 0, 0)>
module attributes {stable_mosaic.version = 14 : i64} {
  func.func @k(%arg0: i32, %arg1: i32, %arg2: memref<10000x128xf32, #tpu.memory_space<hbm>>, %arg3: memref<32x125x2x80xi32, #tpu.memory_space<hbm>>, %arg4: memref<632x128xf32, #tpu.memory_space<hbm>>, %arg5: memref<2x10112x128xf32, #tpu.memory_space<hbm>>, %arg6: memref<4x2x80xi32, #tpu.memory_space<vmem>>, %arg7: memref<4x80x128xf32, #tpu.memory_space<vmem>>, %arg8: memref<10112x128xf32, #tpu.memory_space<vmem_shared>>, %arg9: memref<!tpu.dma_semaphore, #tpu.memory_space<semaphore_mem>>, %arg10: memref<!tpu.dma_semaphore, #tpu.memory_space<semaphore_mem>>, %arg11: memref<!tpu.dma_semaphore, #tpu.memory_space<semaphore_mem>>, %arg12: memref<!tpu.dma_semaphore, #tpu.memory_space<semaphore_mem>>, %arg13: memref<!tpu.dma_semaphore, #tpu.memory_space<semaphore_mem>>, %arg14: memref<!tpu.dma_semaphore, #tpu.memory_space<semaphore_mem>>, %arg15: memref<!tpu.dma_semaphore, #tpu.memory_space<semaphore_mem>>, %arg16: memref<!tpu.dma_semaphore, #tpu.memory_space<semaphore_mem>>) attributes {dimension_semantics = [#tpu.dimension_semantics<core_parallel>, #tpu.dimension_semantics<subcore_parallel>], iteration_bounds = array<i64: 2, 16>, scalar_prefetch = 0 : i64, scratch_operands = 11 : i64, tpu.core_type = #tpu.core_type<sc_vector_subcore>, window_params = [{transform_indices = #map}, {transform_indices = #map1}, {transform_indices = #map}, {transform_indices = #map2}]} {
    %mul3A = arith.constant 16 : i32
    %mul3A_0 = arith.muli %arg0, %mul3A : i32
    %add3A = arith.addi %mul3A_0, %arg1 : i32
    %dma_start3A = arith.constant 0 : i32
    %dma_start3A_1 = arith.constant 0 : i32
    %dma_start3A_2 = arith.constant 0 : i32
    %dma_start3A_3 = arith.constant 0 : i32
    %dma_start3A_4 = tpu.memref_slice %arg6[%dma_start3A_1, %dma_start3A_2, %dma_start3A_3] : memref<4x2x80xi32, #tpu.memory_space<vmem>> -> memref<1x2x80xi32, #tpu.memory_space<vmem>>
    %dma_start3A_5 = tpu.memref_squeeze %dma_start3A_4 : memref<1x2x80xi32, #tpu.memory_space<vmem>> -> memref<2x80xi32, #tpu.memory_space<vmem>>
    %dma_start3A_6 = arith.constant 0 : i32
    %dma_start3A_7 = arith.constant 0 : i32
    %dma_start3A_8 = tpu.memref_slice %arg3[%add3A, %dma_start3A, %dma_start3A_6, %dma_start3A_7] : memref<32x125x2x80xi32, #tpu.memory_space<hbm>> -> memref<1x1x2x80xi32, #tpu.memory_space<hbm>>
    %dma_start3A_9 = tpu.memref_squeeze %dma_start3A_8 : memref<1x1x2x80xi32, #tpu.memory_space<hbm>> -> memref<2x80xi32, #tpu.memory_space<hbm>>
    %dma_start3A_10 = arith.constant 0 : i32
    %dma_start3A_11 = arith.constant 0 : i32
    %dma_start3A_12 = tpu.memref_slice %arg6[%dma_start3A_1, %dma_start3A_10, %dma_start3A_11] : memref<4x2x80xi32, #tpu.memory_space<vmem>> -> memref<1x2x80xi32, #tpu.memory_space<vmem>>
    %dma_start3A_13 = tpu.memref_squeeze %dma_start3A_12 : memref<1x2x80xi32, #tpu.memory_space<vmem>> -> memref<2x80xi32, #tpu.memory_space<vmem>>
    %dma_start3A_14 = arith.constant 0 : i32
    %dma_start3A_15 = arith.constant 0 : i32
    %dma_start3A_16 = tpu.memref_slice %arg3[%add3A, %dma_start3A, %dma_start3A_14, %dma_start3A_15] : memref<32x125x2x80xi32, #tpu.memory_space<hbm>> -> memref<1x1x2x80xi32, #tpu.memory_space<hbm>>
    %dma_start3A_17 = tpu.memref_squeeze %dma_start3A_16 : memref<1x1x2x80xi32, #tpu.memory_space<hbm>> -> memref<2x80xi32, #tpu.memory_space<hbm>>
    tpu.enqueue_dma source(%dma_start3A_17 : memref<2x80xi32, #tpu.memory_space<hbm>>) target(%dma_start3A_13 : memref<2x80xi32, #tpu.memory_space<vmem>>) target_semaphore(%arg9 : memref<!tpu.dma_semaphore, #tpu.memory_space<semaphore_mem>>)
    %dma_start3A_18 = arith.constant 1 : i32
    %dma_start3A_19 = arith.constant 1 : i32
    %dma_start3A_20 = arith.constant 0 : i32
    %dma_start3A_21 = arith.constant 0 : i32
    %dma_start3A_22 = tpu.memref_slice %arg6[%dma_start3A_19, %dma_start3A_20, %dma_start3A_21] : memref<4x2x80xi32, #tpu.memory_space<vmem>> -> memref<1x2x80xi32, #tpu.memory_space<vmem>>
    %dma_start3A_23 = tpu.memref_squeeze %dma_start3A_22 : memref<1x2x80xi32, #tpu.memory_space<vmem>> -> memref<2x80xi32, #tpu.memory_space<vmem>>
    %dma_start3A_24 = arith.constant 0 : i32
    %dma_start3A_25 = arith.constant 0 : i32
    %dma_start3A_26 = tpu.memref_slice %arg3[%add3A, %dma_start3A_18, %dma_start3A_24, %dma_start3A_25] : memref<32x125x2x80xi32, #tpu.memory_space<hbm>> -> memref<1x1x2x80xi32, #tpu.memory_space<hbm>>
    %dma_start3A_27 = tpu.memref_squeeze %dma_start3A_26 : memref<1x1x2x80xi32, #tpu.memory_space<hbm>> -> memref<2x80xi32, #tpu.memory_space<hbm>>
    %dma_start3A_28 = arith.constant 0 : i32
    %dma_start3A_29 = arith.constant 0 : i32
    %dma_start3A_30 = tpu.memref_slice %arg6[%dma_start3A_19, %dma_start3A_28, %dma_start3A_29] : memref<4x2x80xi32, #tpu.memory_space<vmem>> -> memref<1x2x80xi32, #tpu.memory_space<vmem>>
    %dma_start3A_31 = tpu.memref_squeeze %dma_start3A_30 : memref<1x2x80xi32, #tpu.memory_space<vmem>> -> memref<2x80xi32, #tpu.memory_space<vmem>>
    %dma_start3A_32 = arith.constant 0 : i32
    %dma_start3A_33 = arith.constant 0 : i32
    %dma_start3A_34 = tpu.memref_slice %arg3[%add3A, %dma_start3A_18, %dma_start3A_32, %dma_start3A_33] : memref<32x125x2x80xi32, #tpu.memory_space<hbm>> -> memref<1x1x2x80xi32, #tpu.memory_space<hbm>>
    %dma_start3A_35 = tpu.memref_squeeze %dma_start3A_34 : memref<1x1x2x80xi32, #tpu.memory_space<hbm>> -> memref<2x80xi32, #tpu.memory_space<hbm>>
    tpu.enqueue_dma source(%dma_start3A_35 : memref<2x80xi32, #tpu.memory_space<hbm>>) target(%dma_start3A_31 : memref<2x80xi32, #tpu.memory_space<vmem>>) target_semaphore(%arg10 : memref<!tpu.dma_semaphore, #tpu.memory_space<semaphore_mem>>)
    %dma_start3A_36 = arith.constant 2 : i32
    %dma_start3A_37 = arith.constant 2 : i32
    %dma_start3A_38 = arith.constant 0 : i32
    %dma_start3A_39 = arith.constant 0 : i32
    %dma_start3A_40 = tpu.memref_slice %arg6[%dma_start3A_37, %dma_start3A_38, %dma_start3A_39] : memref<4x2x80xi32, #tpu.memory_space<vmem>> -> memref<1x2x80xi32, #tpu.memory_space<vmem>>
    %dma_start3A_41 = tpu.memref_squeeze %dma_start3A_40 : memref<1x2x80xi32, #tpu.memory_space<vmem>> -> memref<2x80xi32, #tpu.memory_space<vmem>>
    %dma_start3A_42 = arith.constant 0 : i32
    %dma_start3A_43 = arith.constant 0 : i32
    %dma_start3A_44 = tpu.memref_slice %arg3[%add3A, %dma_start3A_36, %dma_start3A_42, %dma_start3A_43] : memref<32x125x2x80xi32, #tpu.memory_space<hbm>> -> memref<1x1x2x80xi32, #tpu.memory_space<hbm>>
    %dma_start3A_45 = tpu.memref_squeeze %dma_start3A_44 : memref<1x1x2x80xi32, #tpu.memory_space<hbm>> -> memref<2x80xi32, #tpu.memory_space<hbm>>
    %dma_start3A_46 = arith.constant 0 : i32
    %dma_start3A_47 = arith.constant 0 : i32
    %dma_start3A_48 = tpu.memref_slice %arg6[%dma_start3A_37, %dma_start3A_46, %dma_start3A_47] : memref<4x2x80xi32, #tpu.memory_space<vmem>> -> memref<1x2x80xi32, #tpu.memory_space<vmem>>
    %dma_start3A_49 = tpu.memref_squeeze %dma_start3A_48 : memref<1x2x80xi32, #tpu.memory_space<vmem>> -> memref<2x80xi32, #tpu.memory_space<vmem>>
    %dma_start3A_50 = arith.constant 0 : i32
    %dma_start3A_51 = arith.constant 0 : i32
    %dma_start3A_52 = tpu.memref_slice %arg3[%add3A, %dma_start3A_36, %dma_start3A_50, %dma_start3A_51] : memref<32x125x2x80xi32, #tpu.memory_space<hbm>> -> memref<1x1x2x80xi32, #tpu.memory_space<hbm>>
    %dma_start3A_53 = tpu.memref_squeeze %dma_start3A_52 : memref<1x1x2x80xi32, #tpu.memory_space<hbm>> -> memref<2x80xi32, #tpu.memory_space<hbm>>
    tpu.enqueue_dma source(%dma_start3A_53 : memref<2x80xi32, #tpu.memory_space<hbm>>) target(%dma_start3A_49 : memref<2x80xi32, #tpu.memory_space<vmem>>) target_semaphore(%arg11 : memref<!tpu.dma_semaphore, #tpu.memory_space<semaphore_mem>>)
    %dma_start3A_54 = arith.constant 3 : i32
    %dma_start3A_55 = arith.constant 3 : i32
    %dma_start3A_56 = arith.constant 0 : i32
    %dma_start3A_57 = arith.constant 0 : i32
    %dma_start3A_58 = tpu.memref_slice %arg6[%dma_start3A_55, %dma_start3A_56, %dma_start3A_57] : memref<4x2x80xi32, #tpu.memory_space<vmem>> -> memref<1x2x80xi32, #tpu.memory_space<vmem>>
    %dma_start3A_59 = tpu.memref_squeeze %dma_start3A_58 : memref<1x2x80xi32, #tpu.memory_space<vmem>> -> memref<2x80xi32, #tpu.memory_space<vmem>>
    %dma_start3A_60 = arith.constant 0 : i32
    %dma_start3A_61 = arith.constant 0 : i32
    %dma_start3A_62 = tpu.memref_slice %arg3[%add3A, %dma_start3A_54, %dma_start3A_60, %dma_start3A_61] : memref<32x125x2x80xi32, #tpu.memory_space<hbm>> -> memref<1x1x2x80xi32, #tpu.memory_space<hbm>>
    %dma_start3A_63 = tpu.memref_squeeze %dma_start3A_62 : memref<1x1x2x80xi32, #tpu.memory_space<hbm>> -> memref<2x80xi32, #tpu.memory_space<hbm>>
    %dma_start3A_64 = arith.constant 0 : i32
    %dma_start3A_65 = arith.constant 0 : i32
    %dma_start3A_66 = tpu.memref_slice %arg6[%dma_start3A_55, %dma_start3A_64, %dma_start3A_65] : memref<4x2x80xi32, #tpu.memory_space<vmem>> -> memref<1x2x80xi32, #tpu.memory_space<vmem>>
    %dma_start3A_67 = tpu.memref_squeeze %dma_start3A_66 : memref<1x2x80xi32, #tpu.memory_space<vmem>> -> memref<2x80xi32, #tpu.memory_space<vmem>>
    %dma_start3A_68 = arith.constant 0 : i32
    %dma_start3A_69 = arith.constant 0 : i32
    %dma_start3A_70 = tpu.memref_slice %arg3[%add3A, %dma_start3A_54, %dma_start3A_68, %dma_start3A_69] : memref<32x125x2x80xi32, #tpu.memory_space<hbm>> -> memref<1x1x2x80xi32, #tpu.memory_space<hbm>>
    %dma_start3A_71 = tpu.memref_squeeze %dma_start3A_70 : memref<1x1x2x80xi32, #tpu.memory_space<hbm>> -> memref<2x80xi32, #tpu.memory_space<hbm>>
    tpu.enqueue_dma source(%dma_start3A_71 : memref<2x80xi32, #tpu.memory_space<hbm>>) target(%dma_start3A_67 : memref<2x80xi32, #tpu.memory_space<vmem>>) target_semaphore(%arg12 : memref<!tpu.dma_semaphore, #tpu.memory_space<semaphore_mem>>)
    %mul3A_72 = arith.constant 632 : i32
    %mul3A_73 = arith.muli %arg1, %mul3A_72 : i32
    "tpu.region"() ({
      %run_scoped3A_191 = tpu.sem_alloc : memref<!tpu.dma_semaphore, #tpu.memory_space<semaphore_mem>>
      %dma_start3A_192 = arith.constant 0 : i32
      %dma_start3A_193 = tpu.memref_slice %arg8[%mul3A_73, %dma_start3A_192] : memref<10112x128xf32, #tpu.memory_space<vmem_shared>> -> memref<632x128xf32, #tpu.memory_space<vmem_shared>>
      tpu.enqueue_dma source(%arg4 : memref<632x128xf32, #tpu.memory_space<hbm>>) target(%dma_start3A_193 : memref<632x128xf32, #tpu.memory_space<vmem_shared>>) target_semaphore(%run_scoped3A_191 : memref<!tpu.dma_semaphore, #tpu.memory_space<semaphore_mem>>)
      %dma_wait3A_194 = arith.constant 0 : i32
      %dma_wait3A_195 = tpu.memref_slice %arg8[%mul3A_73, %dma_wait3A_194] : memref<10112x128xf32, #tpu.memory_space<vmem_shared>> -> memref<632x128xf32, #tpu.memory_space<vmem_shared>>
      tpu.wait_dma2 semaphore(%run_scoped3A_191 : memref<!tpu.dma_semaphore, #tpu.memory_space<semaphore_mem>>) src(%arg4 : memref<632x128xf32, #tpu.memory_space<hbm>>) dst(%dma_wait3A_195 : memref<632x128xf32, #tpu.memory_space<vmem_shared>>)
      tpu.yield
    }) : () -> ()
    %barrier3A = arith.constant 0 : index
    tpu.barrier barrier_id(%barrier3A)
    %dma_wait3A = arith.constant 0 : i32
    %dma_wait3A_74 = arith.constant 0 : i32
    %dma_wait3A_75 = arith.constant 0 : i32
    %dma_wait3A_76 = arith.constant 0 : i32
    %dma_wait3A_77 = tpu.memref_slice %arg6[%dma_wait3A_74, %dma_wait3A_75, %dma_wait3A_76] : memref<4x2x80xi32, #tpu.memory_space<vmem>> -> memref<1x2x80xi32, #tpu.memory_space<vmem>>
    %dma_wait3A_78 = tpu.memref_squeeze %dma_wait3A_77 : memref<1x2x80xi32, #tpu.memory_space<vmem>> -> memref<2x80xi32, #tpu.memory_space<vmem>>
    %dma_wait3A_79 = arith.constant 0 : i32
    %dma_wait3A_80 = arith.constant 0 : i32
    %dma_wait3A_81 = tpu.memref_slice %arg3[%add3A, %dma_wait3A, %dma_wait3A_79, %dma_wait3A_80] : memref<32x125x2x80xi32, #tpu.memory_space<hbm>> -> memref<1x1x2x80xi32, #tpu.memory_space<hbm>>
    %dma_wait3A_82 = tpu.memref_squeeze %dma_wait3A_81 : memref<1x1x2x80xi32, #tpu.memory_space<hbm>> -> memref<2x80xi32, #tpu.memory_space<hbm>>
    %dma_wait3A_83 = arith.constant 0 : i32
    %dma_wait3A_84 = arith.constant 0 : i32
    %dma_wait3A_85 = tpu.memref_slice %arg6[%dma_wait3A_74, %dma_wait3A_83, %dma_wait3A_84] : memref<4x2x80xi32, #tpu.memory_space<vmem>> -> memref<1x2x80xi32, #tpu.memory_space<vmem>>
    %dma_wait3A_86 = tpu.memref_squeeze %dma_wait3A_85 : memref<1x2x80xi32, #tpu.memory_space<vmem>> -> memref<2x80xi32, #tpu.memory_space<vmem>>
    %dma_wait3A_87 = arith.constant 0 : i32
    %dma_wait3A_88 = arith.constant 0 : i32
    %dma_wait3A_89 = tpu.memref_slice %arg3[%add3A, %dma_wait3A, %dma_wait3A_87, %dma_wait3A_88] : memref<32x125x2x80xi32, #tpu.memory_space<hbm>> -> memref<1x1x2x80xi32, #tpu.memory_space<hbm>>
    %dma_wait3A_90 = tpu.memref_squeeze %dma_wait3A_89 : memref<1x1x2x80xi32, #tpu.memory_space<hbm>> -> memref<2x80xi32, #tpu.memory_space<hbm>>
    tpu.wait_dma2 semaphore(%arg9 : memref<!tpu.dma_semaphore, #tpu.memory_space<semaphore_mem>>) src(%dma_wait3A_90 : memref<2x80xi32, #tpu.memory_space<hbm>>) dst(%dma_wait3A_86 : memref<2x80xi32, #tpu.memory_space<vmem>>)
    %dma_start3A_91 = arith.constant 0 : i32
    %dma_start3A_92 = arith.constant 0 : i32
    %dma_start3A_93 = arith.constant 0 : i32
    %dma_start3A_94 = arith.constant 0 : i32
    %dma_start3A_95 = arith.constant 0 : i32
    %dma_start3A_96 = tpu.memref_slice %arg7[%dma_start3A_93, %dma_start3A_94, %dma_start3A_95] : memref<4x80x128xf32, #tpu.memory_space<vmem>> -> memref<1x80x128xf32, #tpu.memory_space<vmem>>
    %dma_start3A_97 = tpu.memref_squeeze %dma_start3A_96 : memref<1x80x128xf32, #tpu.memory_space<vmem>> -> memref<80x128xf32, #tpu.memory_space<vmem>>
    %dma_start3A_98 = arith.constant 0 : i32
    %dma_start3A_99 = tpu.memref_slice %arg6[%dma_start3A_91, %dma_start3A_92, %dma_start3A_98] : memref<4x2x80xi32, #tpu.memory_space<vmem>> -> memref<1x1x80xi32, #tpu.memory_space<vmem>>
    %dma_start3A_100 = tpu.memref_squeeze %dma_start3A_99 : memref<1x1x80xi32, #tpu.memory_space<vmem>> -> memref<80xi32, #tpu.memory_space<vmem>>
    %dma_start3A_101 = arith.constant 0 : i32
    %dma_start3A_102 = arith.constant 0 : i32
    %dma_start3A_103 = tpu.memref_slice %arg2[%dma_start3A_101, %dma_start3A_102] : memref<10000x128xf32, #tpu.memory_space<hbm>> -> memref<10000x128xf32, #tpu.memory_space<hbm>>
    tpu.enqueue_indirect_dma source(%dma_start3A_103 : memref<10000x128xf32, #tpu.memory_space<hbm>>) target(%dma_start3A_97 : memref<80x128xf32, #tpu.memory_space<vmem>>) offsets(%dma_start3A_100 : memref<80xi32, #tpu.memory_space<vmem>>) semaphore(%arg13 : memref<!tpu.dma_semaphore, #tpu.memory_space<semaphore_mem>>)
    %dma_wait3A_104 = arith.constant 1 : i32
    %dma_wait3A_105 = arith.constant 1 : i32
    %dma_wait3A_106 = arith.constant 0 : i32
    %dma_wait3A_107 = arith.constant 0 : i32
    %dma_wait3A_108 = tpu.memref_slice %arg6[%dma_wait3A_105, %dma_wait3A_106, %dma_wait3A_107] : memref<4x2x80xi32, #tpu.memory_space<vmem>> -> memref<1x2x80xi32, #tpu.memory_space<vmem>>
    %dma_wait3A_109 = tpu.memref_squeeze %dma_wait3A_108 : memref<1x2x80xi32, #tpu.memory_space<vmem>> -> memref<2x80xi32, #tpu.memory_space<vmem>>
    %dma_wait3A_110 = arith.constant 0 : i32
    %dma_wait3A_111 = arith.constant 0 : i32
    %dma_wait3A_112 = tpu.memref_slice %arg3[%add3A, %dma_wait3A_104, %dma_wait3A_110, %dma_wait3A_111] : memref<32x125x2x80xi32, #tpu.memory_space<hbm>> -> memref<1x1x2x80xi32, #tpu.memory_space<hbm>>
    %dma_wait3A_113 = tpu.memref_squeeze %dma_wait3A_112 : memref<1x1x2x80xi32, #tpu.memory_space<hbm>> -> memref<2x80xi32, #tpu.memory_space<hbm>>
    %dma_wait3A_114 = arith.constant 0 : i32
    %dma_wait3A_115 = arith.constant 0 : i32
    %dma_wait3A_116 = tpu.memref_slice %arg6[%dma_wait3A_105, %dma_wait3A_114, %dma_wait3A_115] : memref<4x2x80xi32, #tpu.memory_space<vmem>> -> memref<1x2x80xi32, #tpu.memory_space<vmem>>
    %dma_wait3A_117 = tpu.memref_squeeze %dma_wait3A_116 : memref<1x2x80xi32, #tpu.memory_space<vmem>> -> memref<2x80xi32, #tpu.memory_space<vmem>>
    %dma_wait3A_118 = arith.constant 0 : i32
    %dma_wait3A_119 = arith.constant 0 : i32
    %dma_wait3A_120 = tpu.memref_slice %arg3[%add3A, %dma_wait3A_104, %dma_wait3A_118, %dma_wait3A_119] : memref<32x125x2x80xi32, #tpu.memory_space<hbm>> -> memref<1x1x2x80xi32, #tpu.memory_space<hbm>>
    %dma_wait3A_121 = tpu.memref_squeeze %dma_wait3A_120 : memref<1x1x2x80xi32, #tpu.memory_space<hbm>> -> memref<2x80xi32, #tpu.memory_space<hbm>>
    tpu.wait_dma2 semaphore(%arg10 : memref<!tpu.dma_semaphore, #tpu.memory_space<semaphore_mem>>) src(%dma_wait3A_121 : memref<2x80xi32, #tpu.memory_space<hbm>>) dst(%dma_wait3A_117 : memref<2x80xi32, #tpu.memory_space<vmem>>)
    %dma_start3A_122 = arith.constant 1 : i32
    %dma_start3A_123 = arith.constant 0 : i32
    %dma_start3A_124 = arith.constant 1 : i32
    %dma_start3A_125 = arith.constant 0 : i32
    %dma_start3A_126 = arith.constant 0 : i32
    %dma_start3A_127 = tpu.memref_slice %arg7[%dma_start3A_124, %dma_start3A_125, %dma_start3A_126] : memref<4x80x128xf32, #tpu.memory_space<vmem>> -> memref<1x80x128xf32, #tpu.memory_space<vmem>>
    %dma_start3A_128 = tpu.memref_squeeze %dma_start3A_127 : memref<1x80x128xf32, #tpu.memory_space<vmem>> -> memref<80x128xf32, #tpu.memory_space<vmem>>
    %dma_start3A_129 = arith.constant 0 : i32
    %dma_start3A_130 = tpu.memref_slice %arg6[%dma_start3A_122, %dma_start3A_123, %dma_start3A_129] : memref<4x2x80xi32, #tpu.memory_space<vmem>> -> memref<1x1x80xi32, #tpu.memory_space<vmem>>
    %dma_start3A_131 = tpu.memref_squeeze %dma_start3A_130 : memref<1x1x80xi32, #tpu.memory_space<vmem>> -> memref<80xi32, #tpu.memory_space<vmem>>
    %dma_start3A_132 = arith.constant 0 : i32
    %dma_start3A_133 = arith.constant 0 : i32
    %dma_start3A_134 = tpu.memref_slice %arg2[%dma_start3A_132, %dma_start3A_133] : memref<10000x128xf32, #tpu.memory_space<hbm>> -> memref<10000x128xf32, #tpu.memory_space<hbm>>
    tpu.enqueue_indirect_dma source(%dma_start3A_134 : memref<10000x128xf32, #tpu.memory_space<hbm>>) target(%dma_start3A_128 : memref<80x128xf32, #tpu.memory_space<vmem>>) offsets(%dma_start3A_131 : memref<80xi32, #tpu.memory_space<vmem>>) semaphore(%arg14 : memref<!tpu.dma_semaphore, #tpu.memory_space<semaphore_mem>>)
    %dma_wait3A_135 = arith.constant 2 : i32
    %dma_wait3A_136 = arith.constant 2 : i32
    %dma_wait3A_137 = arith.constant 0 : i32
    %dma_wait3A_138 = arith.constant 0 : i32
    %dma_wait3A_139 = tpu.memref_slice %arg6[%dma_wait3A_136, %dma_wait3A_137, %dma_wait3A_138] : memref<4x2x80xi32, #tpu.memory_space<vmem>> -> memref<1x2x80xi32, #tpu.memory_space<vmem>>
    %dma_wait3A_140 = tpu.memref_squeeze %dma_wait3A_139 : memref<1x2x80xi32, #tpu.memory_space<vmem>> -> memref<2x80xi32, #tpu.memory_space<vmem>>
    %dma_wait3A_141 = arith.constant 0 : i32
    %dma_wait3A_142 = arith.constant 0 : i32
    %dma_wait3A_143 = tpu.memref_slice %arg3[%add3A, %dma_wait3A_135, %dma_wait3A_141, %dma_wait3A_142] : memref<32x125x2x80xi32, #tpu.memory_space<hbm>> -> memref<1x1x2x80xi32, #tpu.memory_space<hbm>>
    %dma_wait3A_144 = tpu.memref_squeeze %dma_wait3A_143 : memref<1x1x2x80xi32, #tpu.memory_space<hbm>> -> memref<2x80xi32, #tpu.memory_space<hbm>>
    %dma_wait3A_145 = arith.constant 0 : i32
    %dma_wait3A_146 = arith.constant 0 : i32
    %dma_wait3A_147 = tpu.memref_slice %arg6[%dma_wait3A_136, %dma_wait3A_145, %dma_wait3A_146] : memref<4x2x80xi32, #tpu.memory_space<vmem>> -> memref<1x2x80xi32, #tpu.memory_space<vmem>>
    %dma_wait3A_148 = tpu.memref_squeeze %dma_wait3A_147 : memref<1x2x80xi32, #tpu.memory_space<vmem>> -> memref<2x80xi32, #tpu.memory_space<vmem>>
    %dma_wait3A_149 = arith.constant 0 : i32
    %dma_wait3A_150 = arith.constant 0 : i32
    %dma_wait3A_151 = tpu.memref_slice %arg3[%add3A, %dma_wait3A_135, %dma_wait3A_149, %dma_wait3A_150] : memref<32x125x2x80xi32, #tpu.memory_space<hbm>> -> memref<1x1x2x80xi32, #tpu.memory_space<hbm>>
    %dma_wait3A_152 = tpu.memref_squeeze %dma_wait3A_151 : memref<1x1x2x80xi32, #tpu.memory_space<hbm>> -> memref<2x80xi32, #tpu.memory_space<hbm>>
    tpu.wait_dma2 semaphore(%arg11 : memref<!tpu.dma_semaphore, #tpu.memory_space<semaphore_mem>>) src(%dma_wait3A_152 : memref<2x80xi32, #tpu.memory_space<hbm>>) dst(%dma_wait3A_148 : memref<2x80xi32, #tpu.memory_space<vmem>>)
    %dma_start3A_153 = arith.constant 2 : i32
    %dma_start3A_154 = arith.constant 0 : i32
    %dma_start3A_155 = arith.constant 2 : i32
    %dma_start3A_156 = arith.constant 0 : i32
    %dma_start3A_157 = arith.constant 0 : i32
    %dma_start3A_158 = tpu.memref_slice %arg7[%dma_start3A_155, %dma_start3A_156, %dma_start3A_157] : memref<4x80x128xf32, #tpu.memory_space<vmem>> -> memref<1x80x128xf32, #tpu.memory_space<vmem>>
    %dma_start3A_159 = tpu.memref_squeeze %dma_start3A_158 : memref<1x80x128xf32, #tpu.memory_space<vmem>> -> memref<80x128xf32, #tpu.memory_space<vmem>>
    %dma_start3A_160 = arith.constant 0 : i32
    %dma_start3A_161 = tpu.memref_slice %arg6[%dma_start3A_153, %dma_start3A_154, %dma_start3A_160] : memref<4x2x80xi32, #tpu.memory_space<vmem>> -> memref<1x1x80xi32, #tpu.memory_space<vmem>>
    %dma_start3A_162 = tpu.memref_squeeze %dma_start3A_161 : memref<1x1x80xi32, #tpu.memory_space<vmem>> -> memref<80xi32, #tpu.memory_space<vmem>>
    %dma_start3A_163 = arith.constant 0 : i32
    %dma_start3A_164 = arith.constant 0 : i32
    %dma_start3A_165 = tpu.memref_slice %arg2[%dma_start3A_163, %dma_start3A_164] : memref<10000x128xf32, #tpu.memory_space<hbm>> -> memref<10000x128xf32, #tpu.memory_space<hbm>>
    tpu.enqueue_indirect_dma source(%dma_start3A_165 : memref<10000x128xf32, #tpu.memory_space<hbm>>) target(%dma_start3A_159 : memref<80x128xf32, #tpu.memory_space<vmem>>) offsets(%dma_start3A_162 : memref<80xi32, #tpu.memory_space<vmem>>) semaphore(%arg15 : memref<!tpu.dma_semaphore, #tpu.memory_space<semaphore_mem>>)
    %scan3A = arith.constant 0 : i32
    %scan3A_166 = arith.constant 31 : i32
    %scan3A_167 = arith.addi %scan3A, %scan3A_166 : i32
    %scan3A_168 = arith.constant 1 : i32
    scf.for %scan3A_191 = %scan3A to %scan3A_167 step %scan3A_168  : i32 {
      %mul3A_192 = arith.constant 1 : i32
      %mul3A_193 = arith.muli %scan3A_191, %mul3A_192 : i32
      %add3A_194 = arith.constant 0 : i32
      %add3A_195 = arith.addi %add3A_194, %mul3A_193 : i32
      %mul3A_196 = arith.constant 4 : i32
      %mul3A_197 = arith.muli %mul3A_196, %add3A_195 : i32
      %add3A_198 = arith.constant 0 : i32
      %add3A_199 = arith.addi %mul3A_197, %add3A_198 : i32
      %dma_wait3A_200 = arith.constant 0 : i32
      %dma_wait3A_201 = arith.constant 0 : i32
      %dma_wait3A_202 = arith.constant 0 : i32
      %dma_wait3A_203 = arith.constant 0 : i32
      %dma_wait3A_204 = arith.constant 0 : i32
      %dma_wait3A_205 = tpu.memref_slice %arg7[%dma_wait3A_202, %dma_wait3A_203, %dma_wait3A_204] : memref<4x80x128xf32, #tpu.memory_space<vmem>> -> memref<1x80x128xf32, #tpu.memory_space<vmem>>
      %dma_wait3A_206 = tpu.memref_squeeze %dma_wait3A_205 : memref<1x80x128xf32, #tpu.memory_space<vmem>> -> memref<80x128xf32, #tpu.memory_space<vmem>>
      %dma_wait3A_207 = arith.constant 0 : i32
      %dma_wait3A_208 = tpu.memref_slice %arg6[%dma_wait3A_200, %dma_wait3A_201, %dma_wait3A_207] : memref<4x2x80xi32, #tpu.memory_space<vmem>> -> memref<1x1x80xi32, #tpu.memory_space<vmem>>
      %dma_wait3A_209 = tpu.memref_squeeze %dma_wait3A_208 : memref<1x1x80xi32, #tpu.memory_space<vmem>> -> memref<80xi32, #tpu.memory_space<vmem>>
      %dma_wait3A_210 = arith.constant 0 : i32
      %dma_wait3A_211 = arith.constant 0 : i32
      %dma_wait3A_212 = tpu.memref_slice %arg2[%dma_wait3A_210, %dma_wait3A_211] : memref<10000x128xf32, #tpu.memory_space<hbm>> -> memref<10000x128xf32, #tpu.memory_space<hbm>>
      tpu.wait_indirect_dma semaphore(%arg13 : memref<!tpu.dma_semaphore, #tpu.memory_space<semaphore_mem>>) src(%dma_wait3A_212 : memref<10000x128xf32, #tpu.memory_space<hbm>>) dst(%dma_wait3A_206 : memref<80x128xf32, #tpu.memory_space<vmem>>)
      %run_scoped3A_213 = arith.constant 0 : i32
      %run_scoped3A_214 = arith.constant 0 : i32
      %run_scoped3A_215 = arith.constant 1 : i32
      "tpu.region"() ({
        %run_scoped3A_330 = tpu.sem_alloc : memref<!tpu.dma_semaphore, #tpu.memory_space<semaphore_mem>>
        %dma_start3A_331 = arith.constant 0 : i32
        %dma_start3A_332 = arith.constant 0 : i32
        %dma_start3A_333 = tpu.memref_slice %arg7[%run_scoped3A_213, %dma_start3A_331, %dma_start3A_332] : memref<4x80x128xf32, #tpu.memory_space<vmem>> -> memref<1x80x128xf32, #tpu.memory_space<vmem>>
        %dma_start3A_334 = tpu.memref_squeeze %dma_start3A_333 : memref<1x80x128xf32, #tpu.memory_space<vmem>> -> memref<80x128xf32, #tpu.memory_space<vmem>>
        %dma_start3A_335 = arith.constant 0 : i32
        %dma_start3A_336 = tpu.memref_slice %arg6[%run_scoped3A_214, %run_scoped3A_215, %dma_start3A_335] : memref<4x2x80xi32, #tpu.memory_space<vmem>> -> memref<1x1x80xi32, #tpu.memory_space<vmem>>
        %dma_start3A_337 = tpu.memref_squeeze %dma_start3A_336 : memref<1x1x80xi32, #tpu.memory_space<vmem>> -> memref<80xi32, #tpu.memory_space<vmem>>
        %dma_start3A_338 = arith.constant 0 : i32
        %dma_start3A_339 = arith.constant 0 : i32
        %dma_start3A_340 = tpu.memref_slice %arg8[%dma_start3A_338, %dma_start3A_339] : memref<10112x128xf32, #tpu.memory_space<vmem_shared>> -> memref<10112x128xf32, #tpu.memory_space<vmem_shared>>
        tpu.enqueue_indirect_dma source(%dma_start3A_334 : memref<80x128xf32, #tpu.memory_space<vmem>>) target(%dma_start3A_340 : memref<10112x128xf32, #tpu.memory_space<vmem_shared>>) offsets(%dma_start3A_337 : memref<80xi32, #tpu.memory_space<vmem>>) semaphore(%run_scoped3A_330 : memref<!tpu.dma_semaphore, #tpu.memory_space<semaphore_mem>>) {add = true}
        %dma_wait3A_341 = arith.constant 0 : i32
        %dma_wait3A_342 = arith.constant 0 : i32
        %dma_wait3A_343 = tpu.memref_slice %arg7[%run_scoped3A_213, %dma_wait3A_341, %dma_wait3A_342] : memref<4x80x128xf32, #tpu.memory_space<vmem>> -> memref<1x80x128xf32, #tpu.memory_space<vmem>>
        %dma_wait3A_344 = tpu.memref_squeeze %dma_wait3A_343 : memref<1x80x128xf32, #tpu.memory_space<vmem>> -> memref<80x128xf32, #tpu.memory_space<vmem>>
        %dma_wait3A_345 = arith.constant 0 : i32
        %dma_wait3A_346 = tpu.memref_slice %arg6[%run_scoped3A_214, %run_scoped3A_215, %dma_wait3A_345] : memref<4x2x80xi32, #tpu.memory_space<vmem>> -> memref<1x1x80xi32, #tpu.memory_space<vmem>>
        %dma_wait3A_347 = tpu.memref_squeeze %dma_wait3A_346 : memref<1x1x80xi32, #tpu.memory_space<vmem>> -> memref<80xi32, #tpu.memory_space<vmem>>
        %dma_wait3A_348 = arith.constant 0 : i32
        %dma_wait3A_349 = arith.constant 0 : i32
        %dma_wait3A_350 = tpu.memref_slice %arg8[%dma_wait3A_348, %dma_wait3A_349] : memref<10112x128xf32, #tpu.memory_space<vmem_shared>> -> memref<10112x128xf32, #tpu.memory_space<vmem_shared>>
        tpu.wait_indirect_dma semaphore(%run_scoped3A_330 : memref<!tpu.dma_semaphore, #tpu.memory_space<semaphore_mem>>) src(%dma_wait3A_344 : memref<80x128xf32, #tpu.memory_space<vmem>>) dst(%dma_wait3A_350 : memref<10112x128xf32, #tpu.memory_space<vmem_shared>>)
        tpu.yield
      }) : () -> ()
      %add3A_216 = arith.constant 4 : i32
      %add3A_217 = arith.addi %add3A_199, %add3A_216 : i32
      %lt3A = arith.constant 125 : i32
      %lt3A_218 = arith.cmpi slt, %add3A_217, %lt3A : i32
      %convert_element_type3A = arith.extui %lt3A_218 : i1 to i32
      %cond3A = arith.constant 0 : i32
      %cond3A_219 = arith.cmpi ne, %convert_element_type3A, %cond3A : i32
      scf.if %cond3A_219 {
        %add3A_330 = arith.constant 4 : i32
        %add3A_331 = arith.addi %add3A_199, %add3A_330 : i32
        %dma_start3A_332 = arith.constant 0 : i32
        %dma_start3A_333 = arith.constant 0 : i32
        %dma_start3A_334 = arith.constant 0 : i32
        %dma_start3A_335 = tpu.memref_slice %arg6[%dma_start3A_332, %dma_start3A_333, %dma_start3A_334] : memref<4x2x80xi32, #tpu.memory_space<vmem>> -> memref<1x2x80xi32, #tpu.memory_space<vmem>>
        %dma_start3A_336 = tpu.memref_squeeze %dma_start3A_335 : memref<1x2x80xi32, #tpu.memory_space<vmem>> -> memref<2x80xi32, #tpu.memory_space<vmem>>
        %dma_start3A_337 = arith.constant 0 : i32
        %dma_start3A_338 = arith.constant 0 : i32
        %dma_start3A_339 = tpu.memref_slice %arg3[%add3A, %add3A_331, %dma_start3A_337, %dma_start3A_338] : memref<32x125x2x80xi32, #tpu.memory_space<hbm>> -> memref<1x1x2x80xi32, #tpu.memory_space<hbm>>
        %dma_start3A_340 = tpu.memref_squeeze %dma_start3A_339 : memref<1x1x2x80xi32, #tpu.memory_space<hbm>> -> memref<2x80xi32, #tpu.memory_space<hbm>>
        %dma_start3A_341 = arith.constant 0 : i32
        %dma_start3A_342 = arith.constant 0 : i32
        %dma_start3A_343 = tpu.memref_slice %arg6[%dma_start3A_332, %dma_start3A_341, %dma_start3A_342] : memref<4x2x80xi32, #tpu.memory_space<vmem>> -> memref<1x2x80xi32, #tpu.memory_space<vmem>>
        %dma_start3A_344 = tpu.memref_squeeze %dma_start3A_343 : memref<1x2x80xi32, #tpu.memory_space<vmem>> -> memref<2x80xi32, #tpu.memory_space<vmem>>
        %dma_start3A_345 = arith.constant 0 : i32
        %dma_start3A_346 = arith.constant 0 : i32
        %dma_start3A_347 = tpu.memref_slice %arg3[%add3A, %add3A_331, %dma_start3A_345, %dma_start3A_346] : memref<32x125x2x80xi32, #tpu.memory_space<hbm>> -> memref<1x1x2x80xi32, #tpu.memory_space<hbm>>
        %dma_start3A_348 = tpu.memref_squeeze %dma_start3A_347 : memref<1x1x2x80xi32, #tpu.memory_space<hbm>> -> memref<2x80xi32, #tpu.memory_space<hbm>>
        tpu.enqueue_dma source(%dma_start3A_348 : memref<2x80xi32, #tpu.memory_space<hbm>>) target(%dma_start3A_344 : memref<2x80xi32, #tpu.memory_space<vmem>>) target_semaphore(%arg9 : memref<!tpu.dma_semaphore, #tpu.memory_space<semaphore_mem>>)
      } else {
      }
      %add3A_220 = arith.constant 4 : i32
      %add3A_221 = arith.addi %add3A_199, %add3A_220 : i32
      %sub3A = arith.constant 1 : i32
      %sub3A_222 = arith.subi %add3A_221, %sub3A : i32
      %lt3A_223 = arith.constant 125 : i32
      %lt3A_224 = arith.cmpi slt, %sub3A_222, %lt3A_223 : i32
      %convert_element_type3A_225 = arith.extui %lt3A_224 : i1 to i32
      %cond3A_226 = arith.constant 0 : i32
      %cond3A_227 = arith.cmpi ne, %convert_element_type3A_225, %cond3A_226 : i32
      scf.if %cond3A_227 {
        %add3A_330 = arith.constant 4 : i32
        %add3A_331 = arith.addi %add3A_199, %add3A_330 : i32
        %sub3A_332 = arith.constant 1 : i32
        %sub3A_333 = arith.subi %add3A_331, %sub3A_332 : i32
        %dma_wait3A_334 = arith.constant 3 : i32
        %dma_wait3A_335 = arith.constant 0 : i32
        %dma_wait3A_336 = arith.constant 0 : i32
        %dma_wait3A_337 = tpu.memref_slice %arg6[%dma_wait3A_334, %dma_wait3A_335, %dma_wait3A_336] : memref<4x2x80xi32, #tpu.memory_space<vmem>> -> memref<1x2x80xi32, #tpu.memory_space<vmem>>
        %dma_wait3A_338 = tpu.memref_squeeze %dma_wait3A_337 : memref<1x2x80xi32, #tpu.memory_space<vmem>> -> memref<2x80xi32, #tpu.memory_space<vmem>>
        %dma_wait3A_339 = arith.constant 0 : i32
        %dma_wait3A_340 = arith.constant 0 : i32
        %dma_wait3A_341 = tpu.memref_slice %arg3[%add3A, %sub3A_333, %dma_wait3A_339, %dma_wait3A_340] : memref<32x125x2x80xi32, #tpu.memory_space<hbm>> -> memref<1x1x2x80xi32, #tpu.memory_space<hbm>>
        %dma_wait3A_342 = tpu.memref_squeeze %dma_wait3A_341 : memref<1x1x2x80xi32, #tpu.memory_space<hbm>> -> memref<2x80xi32, #tpu.memory_space<hbm>>
        %dma_wait3A_343 = arith.constant 0 : i32
        %dma_wait3A_344 = arith.constant 0 : i32
        %dma_wait3A_345 = tpu.memref_slice %arg6[%dma_wait3A_334, %dma_wait3A_343, %dma_wait3A_344] : memref<4x2x80xi32, #tpu.memory_space<vmem>> -> memref<1x2x80xi32, #tpu.memory_space<vmem>>
        %dma_wait3A_346 = tpu.memref_squeeze %dma_wait3A_345 : memref<1x2x80xi32, #tpu.memory_space<vmem>> -> memref<2x80xi32, #tpu.memory_space<vmem>>
        %dma_wait3A_347 = arith.constant 0 : i32
        %dma_wait3A_348 = arith.constant 0 : i32
        %dma_wait3A_349 = tpu.memref_slice %arg3[%add3A, %sub3A_333, %dma_wait3A_347, %dma_wait3A_348] : memref<32x125x2x80xi32, #tpu.memory_space<hbm>> -> memref<1x1x2x80xi32, #tpu.memory_space<hbm>>
        %dma_wait3A_350 = tpu.memref_squeeze %dma_wait3A_349 : memref<1x1x2x80xi32, #tpu.memory_space<hbm>> -> memref<2x80xi32, #tpu.memory_space<hbm>>
        tpu.wait_dma2 semaphore(%arg12 : memref<!tpu.dma_semaphore, #tpu.memory_space<semaphore_mem>>) src(%dma_wait3A_350 : memref<2x80xi32, #tpu.memory_space<hbm>>) dst(%dma_wait3A_346 : memref<2x80xi32, #tpu.memory_space<vmem>>)
        %dma_start3A_351 = arith.constant 3 : i32
        %dma_start3A_352 = arith.constant 0 : i32
        %dma_start3A_353 = arith.constant 3 : i32
        %dma_start3A_354 = arith.constant 0 : i32
        %dma_start3A_355 = arith.constant 0 : i32
        %dma_start3A_356 = tpu.memref_slice %arg7[%dma_start3A_353, %dma_start3A_354, %dma_start3A_355] : memref<4x80x128xf32, #tpu.memory_space<vmem>> -> memref<1x80x128xf32, #tpu.memory_space<vmem>>
        %dma_start3A_357 = tpu.memref_squeeze %dma_start3A_356 : memref<1x80x128xf32, #tpu.memory_space<vmem>> -> memref<80x128xf32, #tpu.memory_space<vmem>>
        %dma_start3A_358 = arith.constant 0 : i32
        %dma_start3A_359 = tpu.memref_slice %arg6[%dma_start3A_351, %dma_start3A_352, %dma_start3A_358] : memref<4x2x80xi32, #tpu.memory_space<vmem>> -> memref<1x1x80xi32, #tpu.memory_space<vmem>>
        %dma_start3A_360 = tpu.memref_squeeze %dma_start3A_359 : memref<1x1x80xi32, #tpu.memory_space<vmem>> -> memref<80xi32, #tpu.memory_space<vmem>>
        %dma_start3A_361 = arith.constant 0 : i32
        %dma_start3A_362 = arith.constant 0 : i32
        %dma_start3A_363 = tpu.memref_slice %arg2[%dma_start3A_361, %dma_start3A_362] : memref<10000x128xf32, #tpu.memory_space<hbm>> -> memref<10000x128xf32, #tpu.memory_space<hbm>>
        tpu.enqueue_indirect_dma source(%dma_start3A_363 : memref<10000x128xf32, #tpu.memory_space<hbm>>) target(%dma_start3A_357 : memref<80x128xf32, #tpu.memory_space<vmem>>) offsets(%dma_start3A_360 : memref<80xi32, #tpu.memory_space<vmem>>) semaphore(%arg16 : memref<!tpu.dma_semaphore, #tpu.memory_space<semaphore_mem>>)
      } else {
      }
      %add3A_228 = arith.constant 1 : i32
      %add3A_229 = arith.addi %mul3A_197, %add3A_228 : i32
      %dma_wait3A_230 = arith.constant 1 : i32
      %dma_wait3A_231 = arith.constant 0 : i32
      %dma_wait3A_232 = arith.constant 1 : i32
      %dma_wait3A_233 = arith.constant 0 : i32
      %dma_wait3A_234 = arith.constant 0 : i32
      %dma_wait3A_235 = tpu.memref_slice %arg7[%dma_wait3A_232, %dma_wait3A_233, %dma_wait3A_234] : memref<4x80x128xf32, #tpu.memory_space<vmem>> -> memref<1x80x128xf32, #tpu.memory_space<vmem>>
      %dma_wait3A_236 = tpu.memref_squeeze %dma_wait3A_235 : memref<1x80x128xf32, #tpu.memory_space<vmem>> -> memref<80x128xf32, #tpu.memory_space<vmem>>
      %dma_wait3A_237 = arith.constant 0 : i32
      %dma_wait3A_238 = tpu.memref_slice %arg6[%dma_wait3A_230, %dma_wait3A_231, %dma_wait3A_237] : memref<4x2x80xi32, #tpu.memory_space<vmem>> -> memref<1x1x80xi32, #tpu.memory_space<vmem>>
      %dma_wait3A_239 = tpu.memref_squeeze %dma_wait3A_238 : memref<1x1x80xi32, #tpu.memory_space<vmem>> -> memref<80xi32, #tpu.memory_space<vmem>>
      %dma_wait3A_240 = arith.constant 0 : i32
      %dma_wait3A_241 = arith.constant 0 : i32
      %dma_wait3A_242 = tpu.memref_slice %arg2[%dma_wait3A_240, %dma_wait3A_241] : memref<10000x128xf32, #tpu.memory_space<hbm>> -> memref<10000x128xf32, #tpu.memory_space<hbm>>
      tpu.wait_indirect_dma semaphore(%arg14 : memref<!tpu.dma_semaphore, #tpu.memory_space<semaphore_mem>>) src(%dma_wait3A_242 : memref<10000x128xf32, #tpu.memory_space<hbm>>) dst(%dma_wait3A_236 : memref<80x128xf32, #tpu.memory_space<vmem>>)
      %run_scoped3A_243 = arith.constant 1 : i32
      %run_scoped3A_244 = arith.constant 1 : i32
      %run_scoped3A_245 = arith.constant 1 : i32
      "tpu.region"() ({
        %run_scoped3A_330 = tpu.sem_alloc : memref<!tpu.dma_semaphore, #tpu.memory_space<semaphore_mem>>
        %dma_start3A_331 = arith.constant 0 : i32
        %dma_start3A_332 = arith.constant 0 : i32
        %dma_start3A_333 = tpu.memref_slice %arg7[%run_scoped3A_243, %dma_start3A_331, %dma_start3A_332] : memref<4x80x128xf32, #tpu.memory_space<vmem>> -> memref<1x80x128xf32, #tpu.memory_space<vmem>>
        %dma_start3A_334 = tpu.memref_squeeze %dma_start3A_333 : memref<1x80x128xf32, #tpu.memory_space<vmem>> -> memref<80x128xf32, #tpu.memory_space<vmem>>
        %dma_start3A_335 = arith.constant 0 : i32
        %dma_start3A_336 = tpu.memref_slice %arg6[%run_scoped3A_244, %run_scoped3A_245, %dma_start3A_335] : memref<4x2x80xi32, #tpu.memory_space<vmem>> -> memref<1x1x80xi32, #tpu.memory_space<vmem>>
        %dma_start3A_337 = tpu.memref_squeeze %dma_start3A_336 : memref<1x1x80xi32, #tpu.memory_space<vmem>> -> memref<80xi32, #tpu.memory_space<vmem>>
        %dma_start3A_338 = arith.constant 0 : i32
        %dma_start3A_339 = arith.constant 0 : i32
        %dma_start3A_340 = tpu.memref_slice %arg8[%dma_start3A_338, %dma_start3A_339] : memref<10112x128xf32, #tpu.memory_space<vmem_shared>> -> memref<10112x128xf32, #tpu.memory_space<vmem_shared>>
        tpu.enqueue_indirect_dma source(%dma_start3A_334 : memref<80x128xf32, #tpu.memory_space<vmem>>) target(%dma_start3A_340 : memref<10112x128xf32, #tpu.memory_space<vmem_shared>>) offsets(%dma_start3A_337 : memref<80xi32, #tpu.memory_space<vmem>>) semaphore(%run_scoped3A_330 : memref<!tpu.dma_semaphore, #tpu.memory_space<semaphore_mem>>) {add = true}
        %dma_wait3A_341 = arith.constant 0 : i32
        %dma_wait3A_342 = arith.constant 0 : i32
        %dma_wait3A_343 = tpu.memref_slice %arg7[%run_scoped3A_243, %dma_wait3A_341, %dma_wait3A_342] : memref<4x80x128xf32, #tpu.memory_space<vmem>> -> memref<1x80x128xf32, #tpu.memory_space<vmem>>
        %dma_wait3A_344 = tpu.memref_squeeze %dma_wait3A_343 : memref<1x80x128xf32, #tpu.memory_space<vmem>> -> memref<80x128xf32, #tpu.memory_space<vmem>>
        %dma_wait3A_345 = arith.constant 0 : i32
        %dma_wait3A_346 = tpu.memref_slice %arg6[%run_scoped3A_244, %run_scoped3A_245, %dma_wait3A_345] : memref<4x2x80xi32, #tpu.memory_space<vmem>> -> memref<1x1x80xi32, #tpu.memory_space<vmem>>
        %dma_wait3A_347 = tpu.memref_squeeze %dma_wait3A_346 : memref<1x1x80xi32, #tpu.memory_space<vmem>> -> memref<80xi32, #tpu.memory_space<vmem>>
        %dma_wait3A_348 = arith.constant 0 : i32
        %dma_wait3A_349 = arith.constant 0 : i32
        %dma_wait3A_350 = tpu.memref_slice %arg8[%dma_wait3A_348, %dma_wait3A_349] : memref<10112x128xf32, #tpu.memory_space<vmem_shared>> -> memref<10112x128xf32, #tpu.memory_space<vmem_shared>>
        tpu.wait_indirect_dma semaphore(%run_scoped3A_330 : memref<!tpu.dma_semaphore, #tpu.memory_space<semaphore_mem>>) src(%dma_wait3A_344 : memref<80x128xf32, #tpu.memory_space<vmem>>) dst(%dma_wait3A_350 : memref<10112x128xf32, #tpu.memory_space<vmem_shared>>)
        tpu.yield
      }) : () -> ()
      %add3A_246 = arith.constant 4 : i32
      %add3A_247 = arith.addi %add3A_229, %add3A_246 : i32
      %lt3A_248 = arith.constant 125 : i32
      %lt3A_249 = arith.cmpi slt, %add3A_247, %lt3A_248 : i32
      %convert_element_type3A_250 = arith.extui %lt3A_249 : i1 to i32
      %cond3A_251 = arith.constant 0 : i32
      %cond3A_252 = arith.cmpi ne, %convert_element_type3A_250, %cond3A_251 : i32
      scf.if %cond3A_252 {
        %add3A_330 = arith.constant 4 : i32
        %add3A_331 = arith.addi %add3A_229, %add3A_330 : i32
        %dma_start3A_332 = arith.constant 1 : i32
        %dma_start3A_333 = arith.constant 0 : i32
        %dma_start3A_334 = arith.constant 0 : i32
        %dma_start3A_335 = tpu.memref_slice %arg6[%dma_start3A_332, %dma_start3A_333, %dma_start3A_334] : memref<4x2x80xi32, #tpu.memory_space<vmem>> -> memref<1x2x80xi32, #tpu.memory_space<vmem>>
        %dma_start3A_336 = tpu.memref_squeeze %dma_start3A_335 : memref<1x2x80xi32, #tpu.memory_space<vmem>> -> memref<2x80xi32, #tpu.memory_space<vmem>>
        %dma_start3A_337 = arith.constant 0 : i32
        %dma_start3A_338 = arith.constant 0 : i32
        %dma_start3A_339 = tpu.memref_slice %arg3[%add3A, %add3A_331, %dma_start3A_337, %dma_start3A_338] : memref<32x125x2x80xi32, #tpu.memory_space<hbm>> -> memref<1x1x2x80xi32, #tpu.memory_space<hbm>>
        %dma_start3A_340 = tpu.memref_squeeze %dma_start3A_339 : memref<1x1x2x80xi32, #tpu.memory_space<hbm>> -> memref<2x80xi32, #tpu.memory_space<hbm>>
        %dma_start3A_341 = arith.constant 0 : i32
        %dma_start3A_342 = arith.constant 0 : i32
        %dma_start3A_343 = tpu.memref_slice %arg6[%dma_start3A_332, %dma_start3A_341, %dma_start3A_342] : memref<4x2x80xi32, #tpu.memory_space<vmem>> -> memref<1x2x80xi32, #tpu.memory_space<vmem>>
        %dma_start3A_344 = tpu.memref_squeeze %dma_start3A_343 : memref<1x2x80xi32, #tpu.memory_space<vmem>> -> memref<2x80xi32, #tpu.memory_space<vmem>>
        %dma_start3A_345 = arith.constant 0 : i32
        %dma_start3A_346 = arith.constant 0 : i32
        %dma_start3A_347 = tpu.memref_slice %arg3[%add3A, %add3A_331, %dma_start3A_345, %dma_start3A_346] : memref<32x125x2x80xi32, #tpu.memory_space<hbm>> -> memref<1x1x2x80xi32, #tpu.memory_space<hbm>>
        %dma_start3A_348 = tpu.memref_squeeze %dma_start3A_347 : memref<1x1x2x80xi32, #tpu.memory_space<hbm>> -> memref<2x80xi32, #tpu.memory_space<hbm>>
        tpu.enqueue_dma source(%dma_start3A_348 : memref<2x80xi32, #tpu.memory_space<hbm>>) target(%dma_start3A_344 : memref<2x80xi32, #tpu.memory_space<vmem>>) target_semaphore(%arg10 : memref<!tpu.dma_semaphore, #tpu.memory_space<semaphore_mem>>)
      } else {
      }
      %add3A_253 = arith.constant 4 : i32
      %add3A_254 = arith.addi %add3A_229, %add3A_253 : i32
      %sub3A_255 = arith.constant 1 : i32
      %sub3A_256 = arith.subi %add3A_254, %sub3A_255 : i32
      %lt3A_257 = arith.constant 125 : i32
      %lt3A_258 = arith.cmpi slt, %sub3A_256, %lt3A_257 : i32
      %convert_element_type3A_259 = arith.extui %lt3A_258 : i1 to i32
      %cond3A_260 = arith.constant 0 : i32
      %cond3A_261 = arith.cmpi ne, %convert_element_type3A_259, %cond3A_260 : i32
      scf.if %cond3A_261 {
        %add3A_330 = arith.constant 4 : i32
        %add3A_331 = arith.addi %add3A_229, %add3A_330 : i32
        %sub3A_332 = arith.constant 1 : i32
        %sub3A_333 = arith.subi %add3A_331, %sub3A_332 : i32
        %dma_wait3A_334 = arith.constant 0 : i32
        %dma_wait3A_335 = arith.constant 0 : i32
        %dma_wait3A_336 = arith.constant 0 : i32
        %dma_wait3A_337 = tpu.memref_slice %arg6[%dma_wait3A_334, %dma_wait3A_335, %dma_wait3A_336] : memref<4x2x80xi32, #tpu.memory_space<vmem>> -> memref<1x2x80xi32, #tpu.memory_space<vmem>>
        %dma_wait3A_338 = tpu.memref_squeeze %dma_wait3A_337 : memref<1x2x80xi32, #tpu.memory_space<vmem>> -> memref<2x80xi32, #tpu.memory_space<vmem>>
        %dma_wait3A_339 = arith.constant 0 : i32
        %dma_wait3A_340 = arith.constant 0 : i32
        %dma_wait3A_341 = tpu.memref_slice %arg3[%add3A, %sub3A_333, %dma_wait3A_339, %dma_wait3A_340] : memref<32x125x2x80xi32, #tpu.memory_space<hbm>> -> memref<1x1x2x80xi32, #tpu.memory_space<hbm>>
        %dma_wait3A_342 = tpu.memref_squeeze %dma_wait3A_341 : memref<1x1x2x80xi32, #tpu.memory_space<hbm>> -> memref<2x80xi32, #tpu.memory_space<hbm>>
        %dma_wait3A_343 = arith.constant 0 : i32
        %dma_wait3A_344 = arith.constant 0 : i32
        %dma_wait3A_345 = tpu.memref_slice %arg6[%dma_wait3A_334, %dma_wait3A_343, %dma_wait3A_344] : memref<4x2x80xi32, #tpu.memory_space<vmem>> -> memref<1x2x80xi32, #tpu.memory_space<vmem>>
        %dma_wait3A_346 = tpu.memref_squeeze %dma_wait3A_345 : memref<1x2x80xi32, #tpu.memory_space<vmem>> -> memref<2x80xi32, #tpu.memory_space<vmem>>
        %dma_wait3A_347 = arith.constant 0 : i32
        %dma_wait3A_348 = arith.constant 0 : i32
        %dma_wait3A_349 = tpu.memref_slice %arg3[%add3A, %sub3A_333, %dma_wait3A_347, %dma_wait3A_348] : memref<32x125x2x80xi32, #tpu.memory_space<hbm>> -> memref<1x1x2x80xi32, #tpu.memory_space<hbm>>
        %dma_wait3A_350 = tpu.memref_squeeze %dma_wait3A_349 : memref<1x1x2x80xi32, #tpu.memory_space<hbm>> -> memref<2x80xi32, #tpu.memory_space<hbm>>
        tpu.wait_dma2 semaphore(%arg9 : memref<!tpu.dma_semaphore, #tpu.memory_space<semaphore_mem>>) src(%dma_wait3A_350 : memref<2x80xi32, #tpu.memory_space<hbm>>) dst(%dma_wait3A_346 : memref<2x80xi32, #tpu.memory_space<vmem>>)
        %dma_start3A_351 = arith.constant 0 : i32
        %dma_start3A_352 = arith.constant 0 : i32
        %dma_start3A_353 = arith.constant 0 : i32
        %dma_start3A_354 = arith.constant 0 : i32
        %dma_start3A_355 = arith.constant 0 : i32
        %dma_start3A_356 = tpu.memref_slice %arg7[%dma_start3A_353, %dma_start3A_354, %dma_start3A_355] : memref<4x80x128xf32, #tpu.memory_space<vmem>> -> memref<1x80x128xf32, #tpu.memory_space<vmem>>
        %dma_start3A_357 = tpu.memref_squeeze %dma_start3A_356 : memref<1x80x128xf32, #tpu.memory_space<vmem>> -> memref<80x128xf32, #tpu.memory_space<vmem>>
        %dma_start3A_358 = arith.constant 0 : i32
        %dma_start3A_359 = tpu.memref_slice %arg6[%dma_start3A_351, %dma_start3A_352, %dma_start3A_358] : memref<4x2x80xi32, #tpu.memory_space<vmem>> -> memref<1x1x80xi32, #tpu.memory_space<vmem>>
        %dma_start3A_360 = tpu.memref_squeeze %dma_start3A_359 : memref<1x1x80xi32, #tpu.memory_space<vmem>> -> memref<80xi32, #tpu.memory_space<vmem>>
        %dma_start3A_361 = arith.constant 0 : i32
        %dma_start3A_362 = arith.constant 0 : i32
        %dma_start3A_363 = tpu.memref_slice %arg2[%dma_start3A_361, %dma_start3A_362] : memref<10000x128xf32, #tpu.memory_space<hbm>> -> memref<10000x128xf32, #tpu.memory_space<hbm>>
        tpu.enqueue_indirect_dma source(%dma_start3A_363 : memref<10000x128xf32, #tpu.memory_space<hbm>>) target(%dma_start3A_357 : memref<80x128xf32, #tpu.memory_space<vmem>>) offsets(%dma_start3A_360 : memref<80xi32, #tpu.memory_space<vmem>>) semaphore(%arg13 : memref<!tpu.dma_semaphore, #tpu.memory_space<semaphore_mem>>)
      } else {
      }
      %add3A_262 = arith.constant 2 : i32
      %add3A_263 = arith.addi %mul3A_197, %add3A_262 : i32
      %dma_wait3A_264 = arith.constant 2 : i32
      %dma_wait3A_265 = arith.constant 0 : i32
      %dma_wait3A_266 = arith.constant 2 : i32
      %dma_wait3A_267 = arith.constant 0 : i32
      %dma_wait3A_268 = arith.constant 0 : i32
      %dma_wait3A_269 = tpu.memref_slice %arg7[%dma_wait3A_266, %dma_wait3A_267, %dma_wait3A_268] : memref<4x80x128xf32, #tpu.memory_space<vmem>> -> memref<1x80x128xf32, #tpu.memory_space<vmem>>
      %dma_wait3A_270 = tpu.memref_squeeze %dma_wait3A_269 : memref<1x80x128xf32, #tpu.memory_space<vmem>> -> memref<80x128xf32, #tpu.memory_space<vmem>>
      %dma_wait3A_271 = arith.constant 0 : i32
      %dma_wait3A_272 = tpu.memref_slice %arg6[%dma_wait3A_264, %dma_wait3A_265, %dma_wait3A_271] : memref<4x2x80xi32, #tpu.memory_space<vmem>> -> memref<1x1x80xi32, #tpu.memory_space<vmem>>
      %dma_wait3A_273 = tpu.memref_squeeze %dma_wait3A_272 : memref<1x1x80xi32, #tpu.memory_space<vmem>> -> memref<80xi32, #tpu.memory_space<vmem>>
      %dma_wait3A_274 = arith.constant 0 : i32
      %dma_wait3A_275 = arith.constant 0 : i32
      %dma_wait3A_276 = tpu.memref_slice %arg2[%dma_wait3A_274, %dma_wait3A_275] : memref<10000x128xf32, #tpu.memory_space<hbm>> -> memref<10000x128xf32, #tpu.memory_space<hbm>>
      tpu.wait_indirect_dma semaphore(%arg15 : memref<!tpu.dma_semaphore, #tpu.memory_space<semaphore_mem>>) src(%dma_wait3A_276 : memref<10000x128xf32, #tpu.memory_space<hbm>>) dst(%dma_wait3A_270 : memref<80x128xf32, #tpu.memory_space<vmem>>)
      %run_scoped3A_277 = arith.constant 2 : i32
      %run_scoped3A_278 = arith.constant 2 : i32
      %run_scoped3A_279 = arith.constant 1 : i32
      "tpu.region"() ({
        %run_scoped3A_330 = tpu.sem_alloc : memref<!tpu.dma_semaphore, #tpu.memory_space<semaphore_mem>>
        %dma_start3A_331 = arith.constant 0 : i32
        %dma_start3A_332 = arith.constant 0 : i32
        %dma_start3A_333 = tpu.memref_slice %arg7[%run_scoped3A_277, %dma_start3A_331, %dma_start3A_332] : memref<4x80x128xf32, #tpu.memory_space<vmem>> -> memref<1x80x128xf32, #tpu.memory_space<vmem>>
        %dma_start3A_334 = tpu.memref_squeeze %dma_start3A_333 : memref<1x80x128xf32, #tpu.memory_space<vmem>> -> memref<80x128xf32, #tpu.memory_space<vmem>>
        %dma_start3A_335 = arith.constant 0 : i32
        %dma_start3A_336 = tpu.memref_slice %arg6[%run_scoped3A_278, %run_scoped3A_279, %dma_start3A_335] : memref<4x2x80xi32, #tpu.memory_space<vmem>> -> memref<1x1x80xi32, #tpu.memory_space<vmem>>
        %dma_start3A_337 = tpu.memref_squeeze %dma_start3A_336 : memref<1x1x80xi32, #tpu.memory_space<vmem>> -> memref<80xi32, #tpu.memory_space<vmem>>
        %dma_start3A_338 = arith.constant 0 : i32
        %dma_start3A_339 = arith.constant 0 : i32
        %dma_start3A_340 = tpu.memref_slice %arg8[%dma_start3A_338, %dma_start3A_339] : memref<10112x128xf32, #tpu.memory_space<vmem_shared>> -> memref<10112x128xf32, #tpu.memory_space<vmem_shared>>
        tpu.enqueue_indirect_dma source(%dma_start3A_334 : memref<80x128xf32, #tpu.memory_space<vmem>>) target(%dma_start3A_340 : memref<10112x128xf32, #tpu.memory_space<vmem_shared>>) offsets(%dma_start3A_337 : memref<80xi32, #tpu.memory_space<vmem>>) semaphore(%run_scoped3A_330 : memref<!tpu.dma_semaphore, #tpu.memory_space<semaphore_mem>>) {add = true}
        %dma_wait3A_341 = arith.constant 0 : i32
        %dma_wait3A_342 = arith.constant 0 : i32
        %dma_wait3A_343 = tpu.memref_slice %arg7[%run_scoped3A_277, %dma_wait3A_341, %dma_wait3A_342] : memref<4x80x128xf32, #tpu.memory_space<vmem>> -> memref<1x80x128xf32, #tpu.memory_space<vmem>>
        %dma_wait3A_344 = tpu.memref_squeeze %dma_wait3A_343 : memref<1x80x128xf32, #tpu.memory_space<vmem>> -> memref<80x128xf32, #tpu.memory_space<vmem>>
        %dma_wait3A_345 = arith.constant 0 : i32
        %dma_wait3A_346 = tpu.memref_slice %arg6[%run_scoped3A_278, %run_scoped3A_279, %dma_wait3A_345] : memref<4x2x80xi32, #tpu.memory_space<vmem>> -> memref<1x1x80xi32, #tpu.memory_space<vmem>>
        %dma_wait3A_347 = tpu.memref_squeeze %dma_wait3A_346 : memref<1x1x80xi32, #tpu.memory_space<vmem>> -> memref<80xi32, #tpu.memory_space<vmem>>
        %dma_wait3A_348 = arith.constant 0 : i32
        %dma_wait3A_349 = arith.constant 0 : i32
        %dma_wait3A_350 = tpu.memref_slice %arg8[%dma_wait3A_348, %dma_wait3A_349] : memref<10112x128xf32, #tpu.memory_space<vmem_shared>> -> memref<10112x128xf32, #tpu.memory_space<vmem_shared>>
        tpu.wait_indirect_dma semaphore(%run_scoped3A_330 : memref<!tpu.dma_semaphore, #tpu.memory_space<semaphore_mem>>) src(%dma_wait3A_344 : memref<80x128xf32, #tpu.memory_space<vmem>>) dst(%dma_wait3A_350 : memref<10112x128xf32, #tpu.memory_space<vmem_shared>>)
        tpu.yield
      }) : () -> ()
      %add3A_280 = arith.constant 4 : i32
      %add3A_281 = arith.addi %add3A_263, %add3A_280 : i32
      %lt3A_282 = arith.constant 125 : i32
      %lt3A_283 = arith.cmpi slt, %add3A_281, %lt3A_282 : i32
      %convert_element_type3A_284 = arith.extui %lt3A_283 : i1 to i32
      %cond3A_285 = arith.constant 0 : i32
      %cond3A_286 = arith.cmpi ne, %convert_element_type3A_284, %cond3A_285 : i32
      scf.if %cond3A_286 {
        %add3A_330 = arith.constant 4 : i32
        %add3A_331 = arith.addi %add3A_263, %add3A_330 : i32
        %dma_start3A_332 = arith.constant 2 : i32
        %dma_start3A_333 = arith.constant 0 : i32
        %dma_start3A_334 = arith.constant 0 : i32
        %dma_start3A_335 = tpu.memref_slice %arg6[%dma_start3A_332, %dma_start3A_333, %dma_start3A_334] : memref<4x2x80xi32, #tpu.memory_space<vmem>> -> memref<1x2x80xi32, #tpu.memory_space<vmem>>
        %dma_start3A_336 = tpu.memref_squeeze %dma_start3A_335 : memref<1x2x80xi32, #tpu.memory_space<vmem>> -> memref<2x80xi32, #tpu.memory_space<vmem>>
        %dma_start3A_337 = arith.constant 0 : i32
        %dma_start3A_338 = arith.constant 0 : i32
        %dma_start3A_339 = tpu.memref_slice %arg3[%add3A, %add3A_331, %dma_start3A_337, %dma_start3A_338] : memref<32x125x2x80xi32, #tpu.memory_space<hbm>> -> memref<1x1x2x80xi32, #tpu.memory_space<hbm>>
        %dma_start3A_340 = tpu.memref_squeeze %dma_start3A_339 : memref<1x1x2x80xi32, #tpu.memory_space<hbm>> -> memref<2x80xi32, #tpu.memory_space<hbm>>
        %dma_start3A_341 = arith.constant 0 : i32
        %dma_start3A_342 = arith.constant 0 : i32
        %dma_start3A_343 = tpu.memref_slice %arg6[%dma_start3A_332, %dma_start3A_341, %dma_start3A_342] : memref<4x2x80xi32, #tpu.memory_space<vmem>> -> memref<1x2x80xi32, #tpu.memory_space<vmem>>
        %dma_start3A_344 = tpu.memref_squeeze %dma_start3A_343 : memref<1x2x80xi32, #tpu.memory_space<vmem>> -> memref<2x80xi32, #tpu.memory_space<vmem>>
        %dma_start3A_345 = arith.constant 0 : i32
        %dma_start3A_346 = arith.constant 0 : i32
        %dma_start3A_347 = tpu.memref_slice %arg3[%add3A, %add3A_331, %dma_start3A_345, %dma_start3A_346] : memref<32x125x2x80xi32, #tpu.memory_space<hbm>> -> memref<1x1x2x80xi32, #tpu.memory_space<hbm>>
        %dma_start3A_348 = tpu.memref_squeeze %dma_start3A_347 : memref<1x1x2x80xi32, #tpu.memory_space<hbm>> -> memref<2x80xi32, #tpu.memory_space<hbm>>
        tpu.enqueue_dma source(%dma_start3A_348 : memref<2x80xi32, #tpu.memory_space<hbm>>) target(%dma_start3A_344 : memref<2x80xi32, #tpu.memory_space<vmem>>) target_semaphore(%arg11 : memref<!tpu.dma_semaphore, #tpu.memory_space<semaphore_mem>>)
      } else {
      }
      %add3A_287 = arith.constant 4 : i32
      %add3A_288 = arith.addi %add3A_263, %add3A_287 : i32
      %sub3A_289 = arith.constant 1 : i32
      %sub3A_290 = arith.subi %add3A_288, %sub3A_289 : i32
      %lt3A_291 = arith.constant 125 : i32
      %lt3A_292 = arith.cmpi slt, %sub3A_290, %lt3A_291 : i32
      %convert_element_type3A_293 = arith.extui %lt3A_292 : i1 to i32
      %cond3A_294 = arith.constant 0 : i32
      %cond3A_295 = arith.cmpi ne, %convert_element_type3A_293, %cond3A_294 : i32
      scf.if %cond3A_295 {
        %add3A_330 = arith.constant 4 : i32
        %add3A_331 = arith.addi %add3A_263, %add3A_330 : i32
        %sub3A_332 = arith.constant 1 : i32
        %sub3A_333 = arith.subi %add3A_331, %sub3A_332 : i32
        %dma_wait3A_334 = arith.constant 1 : i32
        %dma_wait3A_335 = arith.constant 0 : i32
        %dma_wait3A_336 = arith.constant 0 : i32
        %dma_wait3A_337 = tpu.memref_slice %arg6[%dma_wait3A_334, %dma_wait3A_335, %dma_wait3A_336] : memref<4x2x80xi32, #tpu.memory_space<vmem>> -> memref<1x2x80xi32, #tpu.memory_space<vmem>>
        %dma_wait3A_338 = tpu.memref_squeeze %dma_wait3A_337 : memref<1x2x80xi32, #tpu.memory_space<vmem>> -> memref<2x80xi32, #tpu.memory_space<vmem>>
        %dma_wait3A_339 = arith.constant 0 : i32
        %dma_wait3A_340 = arith.constant 0 : i32
        %dma_wait3A_341 = tpu.memref_slice %arg3[%add3A, %sub3A_333, %dma_wait3A_339, %dma_wait3A_340] : memref<32x125x2x80xi32, #tpu.memory_space<hbm>> -> memref<1x1x2x80xi32, #tpu.memory_space<hbm>>
        %dma_wait3A_342 = tpu.memref_squeeze %dma_wait3A_341 : memref<1x1x2x80xi32, #tpu.memory_space<hbm>> -> memref<2x80xi32, #tpu.memory_space<hbm>>
        %dma_wait3A_343 = arith.constant 0 : i32
        %dma_wait3A_344 = arith.constant 0 : i32
        %dma_wait3A_345 = tpu.memref_slice %arg6[%dma_wait3A_334, %dma_wait3A_343, %dma_wait3A_344] : memref<4x2x80xi32, #tpu.memory_space<vmem>> -> memref<1x2x80xi32, #tpu.memory_space<vmem>>
        %dma_wait3A_346 = tpu.memref_squeeze %dma_wait3A_345 : memref<1x2x80xi32, #tpu.memory_space<vmem>> -> memref<2x80xi32, #tpu.memory_space<vmem>>
        %dma_wait3A_347 = arith.constant 0 : i32
        %dma_wait3A_348 = arith.constant 0 : i32
        %dma_wait3A_349 = tpu.memref_slice %arg3[%add3A, %sub3A_333, %dma_wait3A_347, %dma_wait3A_348] : memref<32x125x2x80xi32, #tpu.memory_space<hbm>> -> memref<1x1x2x80xi32, #tpu.memory_space<hbm>>
        %dma_wait3A_350 = tpu.memref_squeeze %dma_wait3A_349 : memref<1x1x2x80xi32, #tpu.memory_space<hbm>> -> memref<2x80xi32, #tpu.memory_space<hbm>>
        tpu.wait_dma2 semaphore(%arg10 : memref<!tpu.dma_semaphore, #tpu.memory_space<semaphore_mem>>) src(%dma_wait3A_350 : memref<2x80xi32, #tpu.memory_space<hbm>>) dst(%dma_wait3A_346 : memref<2x80xi32, #tpu.memory_space<vmem>>)
        %dma_start3A_351 = arith.constant 1 : i32
        %dma_start3A_352 = arith.constant 0 : i32
        %dma_start3A_353 = arith.constant 1 : i32
        %dma_start3A_354 = arith.constant 0 : i32
        %dma_start3A_355 = arith.constant 0 : i32
        %dma_start3A_356 = tpu.memref_slice %arg7[%dma_start3A_353, %dma_start3A_354, %dma_start3A_355] : memref<4x80x128xf32, #tpu.memory_space<vmem>> -> memref<1x80x128xf32, #tpu.memory_space<vmem>>
        %dma_start3A_357 = tpu.memref_squeeze %dma_start3A_356 : memref<1x80x128xf32, #tpu.memory_space<vmem>> -> memref<80x128xf32, #tpu.memory_space<vmem>>
        %dma_start3A_358 = arith.constant 0 : i32
        %dma_start3A_359 = tpu.memref_slice %arg6[%dma_start3A_351, %dma_start3A_352, %dma_start3A_358] : memref<4x2x80xi32, #tpu.memory_space<vmem>> -> memref<1x1x80xi32, #tpu.memory_space<vmem>>
        %dma_start3A_360 = tpu.memref_squeeze %dma_start3A_359 : memref<1x1x80xi32, #tpu.memory_space<vmem>> -> memref<80xi32, #tpu.memory_space<vmem>>
        %dma_start3A_361 = arith.constant 0 : i32
        %dma_start3A_362 = arith.constant 0 : i32
        %dma_start3A_363 = tpu.memref_slice %arg2[%dma_start3A_361, %dma_start3A_362] : memref<10000x128xf32, #tpu.memory_space<hbm>> -> memref<10000x128xf32, #tpu.memory_space<hbm>>
        tpu.enqueue_indirect_dma source(%dma_start3A_363 : memref<10000x128xf32, #tpu.memory_space<hbm>>) target(%dma_start3A_357 : memref<80x128xf32, #tpu.memory_space<vmem>>) offsets(%dma_start3A_360 : memref<80xi32, #tpu.memory_space<vmem>>) semaphore(%arg14 : memref<!tpu.dma_semaphore, #tpu.memory_space<semaphore_mem>>)
      } else {
      }
      %add3A_296 = arith.constant 3 : i32
      %add3A_297 = arith.addi %mul3A_197, %add3A_296 : i32
      %dma_wait3A_298 = arith.constant 3 : i32
      %dma_wait3A_299 = arith.constant 0 : i32
      %dma_wait3A_300 = arith.constant 3 : i32
      %dma_wait3A_301 = arith.constant 0 : i32
      %dma_wait3A_302 = arith.constant 0 : i32
      %dma_wait3A_303 = tpu.memref_slice %arg7[%dma_wait3A_300, %dma_wait3A_301, %dma_wait3A_302] : memref<4x80x128xf32, #tpu.memory_space<vmem>> -> memref<1x80x128xf32, #tpu.memory_space<vmem>>
      %dma_wait3A_304 = tpu.memref_squeeze %dma_wait3A_303 : memref<1x80x128xf32, #tpu.memory_space<vmem>> -> memref<80x128xf32, #tpu.memory_space<vmem>>
      %dma_wait3A_305 = arith.constant 0 : i32
      %dma_wait3A_306 = tpu.memref_slice %arg6[%dma_wait3A_298, %dma_wait3A_299, %dma_wait3A_305] : memref<4x2x80xi32, #tpu.memory_space<vmem>> -> memref<1x1x80xi32, #tpu.memory_space<vmem>>
      %dma_wait3A_307 = tpu.memref_squeeze %dma_wait3A_306 : memref<1x1x80xi32, #tpu.memory_space<vmem>> -> memref<80xi32, #tpu.memory_space<vmem>>
      %dma_wait3A_308 = arith.constant 0 : i32
      %dma_wait3A_309 = arith.constant 0 : i32
      %dma_wait3A_310 = tpu.memref_slice %arg2[%dma_wait3A_308, %dma_wait3A_309] : memref<10000x128xf32, #tpu.memory_space<hbm>> -> memref<10000x128xf32, #tpu.memory_space<hbm>>
      tpu.wait_indirect_dma semaphore(%arg16 : memref<!tpu.dma_semaphore, #tpu.memory_space<semaphore_mem>>) src(%dma_wait3A_310 : memref<10000x128xf32, #tpu.memory_space<hbm>>) dst(%dma_wait3A_304 : memref<80x128xf32, #tpu.memory_space<vmem>>)
      %run_scoped3A_311 = arith.constant 3 : i32
      %run_scoped3A_312 = arith.constant 3 : i32
      %run_scoped3A_313 = arith.constant 1 : i32
      "tpu.region"() ({
        %run_scoped3A_330 = tpu.sem_alloc : memref<!tpu.dma_semaphore, #tpu.memory_space<semaphore_mem>>
        %dma_start3A_331 = arith.constant 0 : i32
        %dma_start3A_332 = arith.constant 0 : i32
        %dma_start3A_333 = tpu.memref_slice %arg7[%run_scoped3A_311, %dma_start3A_331, %dma_start3A_332] : memref<4x80x128xf32, #tpu.memory_space<vmem>> -> memref<1x80x128xf32, #tpu.memory_space<vmem>>
        %dma_start3A_334 = tpu.memref_squeeze %dma_start3A_333 : memref<1x80x128xf32, #tpu.memory_space<vmem>> -> memref<80x128xf32, #tpu.memory_space<vmem>>
        %dma_start3A_335 = arith.constant 0 : i32
        %dma_start3A_336 = tpu.memref_slice %arg6[%run_scoped3A_312, %run_scoped3A_313, %dma_start3A_335] : memref<4x2x80xi32, #tpu.memory_space<vmem>> -> memref<1x1x80xi32, #tpu.memory_space<vmem>>
        %dma_start3A_337 = tpu.memref_squeeze %dma_start3A_336 : memref<1x1x80xi32, #tpu.memory_space<vmem>> -> memref<80xi32, #tpu.memory_space<vmem>>
        %dma_start3A_338 = arith.constant 0 : i32
        %dma_start3A_339 = arith.constant 0 : i32
        %dma_start3A_340 = tpu.memref_slice %arg8[%dma_start3A_338, %dma_start3A_339] : memref<10112x128xf32, #tpu.memory_space<vmem_shared>> -> memref<10112x128xf32, #tpu.memory_space<vmem_shared>>
        tpu.enqueue_indirect_dma source(%dma_start3A_334 : memref<80x128xf32, #tpu.memory_space<vmem>>) target(%dma_start3A_340 : memref<10112x128xf32, #tpu.memory_space<vmem_shared>>) offsets(%dma_start3A_337 : memref<80xi32, #tpu.memory_space<vmem>>) semaphore(%run_scoped3A_330 : memref<!tpu.dma_semaphore, #tpu.memory_space<semaphore_mem>>) {add = true}
        %dma_wait3A_341 = arith.constant 0 : i32
        %dma_wait3A_342 = arith.constant 0 : i32
        %dma_wait3A_343 = tpu.memref_slice %arg7[%run_scoped3A_311, %dma_wait3A_341, %dma_wait3A_342] : memref<4x80x128xf32, #tpu.memory_space<vmem>> -> memref<1x80x128xf32, #tpu.memory_space<vmem>>
        %dma_wait3A_344 = tpu.memref_squeeze %dma_wait3A_343 : memref<1x80x128xf32, #tpu.memory_space<vmem>> -> memref<80x128xf32, #tpu.memory_space<vmem>>
        %dma_wait3A_345 = arith.constant 0 : i32
        %dma_wait3A_346 = tpu.memref_slice %arg6[%run_scoped3A_312, %run_scoped3A_313, %dma_wait3A_345] : memref<4x2x80xi32, #tpu.memory_space<vmem>> -> memref<1x1x80xi32, #tpu.memory_space<vmem>>
        %dma_wait3A_347 = tpu.memref_squeeze %dma_wait3A_346 : memref<1x1x80xi32, #tpu.memory_space<vmem>> -> memref<80xi32, #tpu.memory_space<vmem>>
        %dma_wait3A_348 = arith.constant 0 : i32
        %dma_wait3A_349 = arith.constant 0 : i32
        %dma_wait3A_350 = tpu.memref_slice %arg8[%dma_wait3A_348, %dma_wait3A_349] : memref<10112x128xf32, #tpu.memory_space<vmem_shared>> -> memref<10112x128xf32, #tpu.memory_space<vmem_shared>>
        tpu.wait_indirect_dma semaphore(%run_scoped3A_330 : memref<!tpu.dma_semaphore, #tpu.memory_space<semaphore_mem>>) src(%dma_wait3A_344 : memref<80x128xf32, #tpu.memory_space<vmem>>) dst(%dma_wait3A_350 : memref<10112x128xf32, #tpu.memory_space<vmem_shared>>)
        tpu.yield
      }) : () -> ()
      %add3A_314 = arith.constant 4 : i32
      %add3A_315 = arith.addi %add3A_297, %add3A_314 : i32
      %lt3A_316 = arith.constant 125 : i32
      %lt3A_317 = arith.cmpi slt, %add3A_315, %lt3A_316 : i32
      %convert_element_type3A_318 = arith.extui %lt3A_317 : i1 to i32
      %cond3A_319 = arith.constant 0 : i32
      %cond3A_320 = arith.cmpi ne, %convert_element_type3A_318, %cond3A_319 : i32
      scf.if %cond3A_320 {
        %add3A_330 = arith.constant 4 : i32
        %add3A_331 = arith.addi %add3A_297, %add3A_330 : i32
        %dma_start3A_332 = arith.constant 3 : i32
        %dma_start3A_333 = arith.constant 0 : i32
        %dma_start3A_334 = arith.constant 0 : i32
        %dma_start3A_335 = tpu.memref_slice %arg6[%dma_start3A_332, %dma_start3A_333, %dma_start3A_334] : memref<4x2x80xi32, #tpu.memory_space<vmem>> -> memref<1x2x80xi32, #tpu.memory_space<vmem>>
        %dma_start3A_336 = tpu.memref_squeeze %dma_start3A_335 : memref<1x2x80xi32, #tpu.memory_space<vmem>> -> memref<2x80xi32, #tpu.memory_space<vmem>>
        %dma_start3A_337 = arith.constant 0 : i32
        %dma_start3A_338 = arith.constant 0 : i32
        %dma_start3A_339 = tpu.memref_slice %arg3[%add3A, %add3A_331, %dma_start3A_337, %dma_start3A_338] : memref<32x125x2x80xi32, #tpu.memory_space<hbm>> -> memref<1x1x2x80xi32, #tpu.memory_space<hbm>>
        %dma_start3A_340 = tpu.memref_squeeze %dma_start3A_339 : memref<1x1x2x80xi32, #tpu.memory_space<hbm>> -> memref<2x80xi32, #tpu.memory_space<hbm>>
        %dma_start3A_341 = arith.constant 0 : i32
        %dma_start3A_342 = arith.constant 0 : i32
        %dma_start3A_343 = tpu.memref_slice %arg6[%dma_start3A_332, %dma_start3A_341, %dma_start3A_342] : memref<4x2x80xi32, #tpu.memory_space<vmem>> -> memref<1x2x80xi32, #tpu.memory_space<vmem>>
        %dma_start3A_344 = tpu.memref_squeeze %dma_start3A_343 : memref<1x2x80xi32, #tpu.memory_space<vmem>> -> memref<2x80xi32, #tpu.memory_space<vmem>>
        %dma_start3A_345 = arith.constant 0 : i32
        %dma_start3A_346 = arith.constant 0 : i32
        %dma_start3A_347 = tpu.memref_slice %arg3[%add3A, %add3A_331, %dma_start3A_345, %dma_start3A_346] : memref<32x125x2x80xi32, #tpu.memory_space<hbm>> -> memref<1x1x2x80xi32, #tpu.memory_space<hbm>>
        %dma_start3A_348 = tpu.memref_squeeze %dma_start3A_347 : memref<1x1x2x80xi32, #tpu.memory_space<hbm>> -> memref<2x80xi32, #tpu.memory_space<hbm>>
        tpu.enqueue_dma source(%dma_start3A_348 : memref<2x80xi32, #tpu.memory_space<hbm>>) target(%dma_start3A_344 : memref<2x80xi32, #tpu.memory_space<vmem>>) target_semaphore(%arg12 : memref<!tpu.dma_semaphore, #tpu.memory_space<semaphore_mem>>)
      } else {
      }
      %add3A_321 = arith.constant 4 : i32
      %add3A_322 = arith.addi %add3A_297, %add3A_321 : i32
      %sub3A_323 = arith.constant 1 : i32
      %sub3A_324 = arith.subi %add3A_322, %sub3A_323 : i32
      %lt3A_325 = arith.constant 125 : i32
      %lt3A_326 = arith.cmpi slt, %sub3A_324, %lt3A_325 : i32
      %convert_element_type3A_327 = arith.extui %lt3A_326 : i1 to i32
      %cond3A_328 = arith.constant 0 : i32
      %cond3A_329 = arith.cmpi ne, %convert_element_type3A_327, %cond3A_328 : i32
      scf.if %cond3A_329 {
        %add3A_330 = arith.constant 4 : i32
        %add3A_331 = arith.addi %add3A_297, %add3A_330 : i32
        %sub3A_332 = arith.constant 1 : i32
        %sub3A_333 = arith.subi %add3A_331, %sub3A_332 : i32
        %dma_wait3A_334 = arith.constant 2 : i32
        %dma_wait3A_335 = arith.constant 0 : i32
        %dma_wait3A_336 = arith.constant 0 : i32
        %dma_wait3A_337 = tpu.memref_slice %arg6[%dma_wait3A_334, %dma_wait3A_335, %dma_wait3A_336] : memref<4x2x80xi32, #tpu.memory_space<vmem>> -> memref<1x2x80xi32, #tpu.memory_space<vmem>>
        %dma_wait3A_338 = tpu.memref_squeeze %dma_wait3A_337 : memref<1x2x80xi32, #tpu.memory_space<vmem>> -> memref<2x80xi32, #tpu.memory_space<vmem>>
        %dma_wait3A_339 = arith.constant 0 : i32
        %dma_wait3A_340 = arith.constant 0 : i32
        %dma_wait3A_341 = tpu.memref_slice %arg3[%add3A, %sub3A_333, %dma_wait3A_339, %dma_wait3A_340] : memref<32x125x2x80xi32, #tpu.memory_space<hbm>> -> memref<1x1x2x80xi32, #tpu.memory_space<hbm>>
        %dma_wait3A_342 = tpu.memref_squeeze %dma_wait3A_341 : memref<1x1x2x80xi32, #tpu.memory_space<hbm>> -> memref<2x80xi32, #tpu.memory_space<hbm>>
        %dma_wait3A_343 = arith.constant 0 : i32
        %dma_wait3A_344 = arith.constant 0 : i32
        %dma_wait3A_345 = tpu.memref_slice %arg6[%dma_wait3A_334, %dma_wait3A_343, %dma_wait3A_344] : memref<4x2x80xi32, #tpu.memory_space<vmem>> -> memref<1x2x80xi32, #tpu.memory_space<vmem>>
        %dma_wait3A_346 = tpu.memref_squeeze %dma_wait3A_345 : memref<1x2x80xi32, #tpu.memory_space<vmem>> -> memref<2x80xi32, #tpu.memory_space<vmem>>
        %dma_wait3A_347 = arith.constant 0 : i32
        %dma_wait3A_348 = arith.constant 0 : i32
        %dma_wait3A_349 = tpu.memref_slice %arg3[%add3A, %sub3A_333, %dma_wait3A_347, %dma_wait3A_348] : memref<32x125x2x80xi32, #tpu.memory_space<hbm>> -> memref<1x1x2x80xi32, #tpu.memory_space<hbm>>
        %dma_wait3A_350 = tpu.memref_squeeze %dma_wait3A_349 : memref<1x1x2x80xi32, #tpu.memory_space<hbm>> -> memref<2x80xi32, #tpu.memory_space<hbm>>
        tpu.wait_dma2 semaphore(%arg11 : memref<!tpu.dma_semaphore, #tpu.memory_space<semaphore_mem>>) src(%dma_wait3A_350 : memref<2x80xi32, #tpu.memory_space<hbm>>) dst(%dma_wait3A_346 : memref<2x80xi32, #tpu.memory_space<vmem>>)
        %dma_start3A_351 = arith.constant 2 : i32
        %dma_start3A_352 = arith.constant 0 : i32
        %dma_start3A_353 = arith.constant 2 : i32
        %dma_start3A_354 = arith.constant 0 : i32
        %dma_start3A_355 = arith.constant 0 : i32
        %dma_start3A_356 = tpu.memref_slice %arg7[%dma_start3A_353, %dma_start3A_354, %dma_start3A_355] : memref<4x80x128xf32, #tpu.memory_space<vmem>> -> memref<1x80x128xf32, #tpu.memory_space<vmem>>
        %dma_start3A_357 = tpu.memref_squeeze %dma_start3A_356 : memref<1x80x128xf32, #tpu.memory_space<vmem>> -> memref<80x128xf32, #tpu.memory_space<vmem>>
        %dma_start3A_358 = arith.constant 0 : i32
        %dma_start3A_359 = tpu.memref_slice %arg6[%dma_start3A_351, %dma_start3A_352, %dma_start3A_358] : memref<4x2x80xi32, #tpu.memory_space<vmem>> -> memref<1x1x80xi32, #tpu.memory_space<vmem>>
        %dma_start3A_360 = tpu.memref_squeeze %dma_start3A_359 : memref<1x1x80xi32, #tpu.memory_space<vmem>> -> memref<80xi32, #tpu.memory_space<vmem>>
        %dma_start3A_361 = arith.constant 0 : i32
        %dma_start3A_362 = arith.constant 0 : i32
        %dma_start3A_363 = tpu.memref_slice %arg2[%dma_start3A_361, %dma_start3A_362] : memref<10000x128xf32, #tpu.memory_space<hbm>> -> memref<10000x128xf32, #tpu.memory_space<hbm>>
        tpu.enqueue_indirect_dma source(%dma_start3A_363 : memref<10000x128xf32, #tpu.memory_space<hbm>>) target(%dma_start3A_357 : memref<80x128xf32, #tpu.memory_space<vmem>>) offsets(%dma_start3A_360 : memref<80xi32, #tpu.memory_space<vmem>>) semaphore(%arg15 : memref<!tpu.dma_semaphore, #tpu.memory_space<semaphore_mem>>)
      } else {
      }
    }
    %scan3A_169 = arith.constant 31 : i32
    %dma_wait3A_170 = arith.constant 0 : i32
    %dma_wait3A_171 = arith.constant 0 : i32
    %dma_wait3A_172 = arith.constant 0 : i32
    %dma_wait3A_173 = arith.constant 0 : i32
    %dma_wait3A_174 = arith.constant 0 : i32
    %dma_wait3A_175 = tpu.memref_slice %arg7[%dma_wait3A_172, %dma_wait3A_173, %dma_wait3A_174] : memref<4x80x128xf32, #tpu.memory_space<vmem>> -> memref<1x80x128xf32, #tpu.memory_space<vmem>>
    %dma_wait3A_176 = tpu.memref_squeeze %dma_wait3A_175 : memref<1x80x128xf32, #tpu.memory_space<vmem>> -> memref<80x128xf32, #tpu.memory_space<vmem>>
    %dma_wait3A_177 = arith.constant 0 : i32
    %dma_wait3A_178 = tpu.memref_slice %arg6[%dma_wait3A_170, %dma_wait3A_171, %dma_wait3A_177] : memref<4x2x80xi32, #tpu.memory_space<vmem>> -> memref<1x1x80xi32, #tpu.memory_space<vmem>>
    %dma_wait3A_179 = tpu.memref_squeeze %dma_wait3A_178 : memref<1x1x80xi32, #tpu.memory_space<vmem>> -> memref<80xi32, #tpu.memory_space<vmem>>
    %dma_wait3A_180 = arith.constant 0 : i32
    %dma_wait3A_181 = arith.constant 0 : i32
    %dma_wait3A_182 = tpu.memref_slice %arg2[%dma_wait3A_180, %dma_wait3A_181] : memref<10000x128xf32, #tpu.memory_space<hbm>> -> memref<10000x128xf32, #tpu.memory_space<hbm>>
    tpu.wait_indirect_dma semaphore(%arg13 : memref<!tpu.dma_semaphore, #tpu.memory_space<semaphore_mem>>) src(%dma_wait3A_182 : memref<10000x128xf32, #tpu.memory_space<hbm>>) dst(%dma_wait3A_176 : memref<80x128xf32, #tpu.memory_space<vmem>>)
    %run_scoped3A = arith.constant 0 : i32
    %run_scoped3A_183 = arith.constant 0 : i32
    %run_scoped3A_184 = arith.constant 1 : i32
    "tpu.region"() ({
      %run_scoped3A_191 = tpu.sem_alloc : memref<!tpu.dma_semaphore, #tpu.memory_space<semaphore_mem>>
      %dma_start3A_192 = arith.constant 0 : i32
      %dma_start3A_193 = arith.constant 0 : i32
      %dma_start3A_194 = tpu.memref_slice %arg7[%run_scoped3A, %dma_start3A_192, %dma_start3A_193] : memref<4x80x128xf32, #tpu.memory_space<vmem>> -> memref<1x80x128xf32, #tpu.memory_space<vmem>>
      %dma_start3A_195 = tpu.memref_squeeze %dma_start3A_194 : memref<1x80x128xf32, #tpu.memory_space<vmem>> -> memref<80x128xf32, #tpu.memory_space<vmem>>
      %dma_start3A_196 = arith.constant 0 : i32
      %dma_start3A_197 = tpu.memref_slice %arg6[%run_scoped3A_183, %run_scoped3A_184, %dma_start3A_196] : memref<4x2x80xi32, #tpu.memory_space<vmem>> -> memref<1x1x80xi32, #tpu.memory_space<vmem>>
      %dma_start3A_198 = tpu.memref_squeeze %dma_start3A_197 : memref<1x1x80xi32, #tpu.memory_space<vmem>> -> memref<80xi32, #tpu.memory_space<vmem>>
      %dma_start3A_199 = arith.constant 0 : i32
      %dma_start3A_200 = arith.constant 0 : i32
      %dma_start3A_201 = tpu.memref_slice %arg8[%dma_start3A_199, %dma_start3A_200] : memref<10112x128xf32, #tpu.memory_space<vmem_shared>> -> memref<10112x128xf32, #tpu.memory_space<vmem_shared>>
      tpu.enqueue_indirect_dma source(%dma_start3A_195 : memref<80x128xf32, #tpu.memory_space<vmem>>) target(%dma_start3A_201 : memref<10112x128xf32, #tpu.memory_space<vmem_shared>>) offsets(%dma_start3A_198 : memref<80xi32, #tpu.memory_space<vmem>>) semaphore(%run_scoped3A_191 : memref<!tpu.dma_semaphore, #tpu.memory_space<semaphore_mem>>) {add = true}
      %dma_wait3A_202 = arith.constant 0 : i32
      %dma_wait3A_203 = arith.constant 0 : i32
      %dma_wait3A_204 = tpu.memref_slice %arg7[%run_scoped3A, %dma_wait3A_202, %dma_wait3A_203] : memref<4x80x128xf32, #tpu.memory_space<vmem>> -> memref<1x80x128xf32, #tpu.memory_space<vmem>>
      %dma_wait3A_205 = tpu.memref_squeeze %dma_wait3A_204 : memref<1x80x128xf32, #tpu.memory_space<vmem>> -> memref<80x128xf32, #tpu.memory_space<vmem>>
      %dma_wait3A_206 = arith.constant 0 : i32
      %dma_wait3A_207 = tpu.memref_slice %arg6[%run_scoped3A_183, %run_scoped3A_184, %dma_wait3A_206] : memref<4x2x80xi32, #tpu.memory_space<vmem>> -> memref<1x1x80xi32, #tpu.memory_space<vmem>>
      %dma_wait3A_208 = tpu.memref_squeeze %dma_wait3A_207 : memref<1x1x80xi32, #tpu.memory_space<vmem>> -> memref<80xi32, #tpu.memory_space<vmem>>
      %dma_wait3A_209 = arith.constant 0 : i32
      %dma_wait3A_210 = arith.constant 0 : i32
      %dma_wait3A_211 = tpu.memref_slice %arg8[%dma_wait3A_209, %dma_wait3A_210] : memref<10112x128xf32, #tpu.memory_space<vmem_shared>> -> memref<10112x128xf32, #tpu.memory_space<vmem_shared>>
      tpu.wait_indirect_dma semaphore(%run_scoped3A_191 : memref<!tpu.dma_semaphore, #tpu.memory_space<semaphore_mem>>) src(%dma_wait3A_205 : memref<80x128xf32, #tpu.memory_space<vmem>>) dst(%dma_wait3A_211 : memref<10112x128xf32, #tpu.memory_space<vmem_shared>>)
      tpu.yield
    }) : () -> ()
    %barrier3A_185 = arith.constant 0 : index
    tpu.barrier barrier_id(%barrier3A_185)
    %barrier3A_186 = arith.constant 0 : index
    tpu.barrier barrier_id(%barrier3A_186)
    %mul3A_187 = arith.constant 632 : i32
    %mul3A_188 = arith.muli %arg1, %mul3A_187 : i32
    %mul3A_189 = arith.constant 632 : i32
    %mul3A_190 = arith.muli %arg1, %mul3A_189 : i32
    "tpu.region"() ({
      %run_scoped3A_191 = tpu.sem_alloc : memref<!tpu.dma_semaphore, #tpu.memory_space<semaphore_mem>>
      %dma_start3A_192 = arith.constant 0 : i32
      %dma_start3A_193 = tpu.memref_slice %arg5[%arg0, %mul3A_190, %dma_start3A_192] : memref<2x10112x128xf32, #tpu.memory_space<hbm>> -> memref<1x632x128xf32, #tpu.memory_space<hbm>>
      %dma_start3A_194 = tpu.memref_squeeze %dma_start3A_193 : memref<1x632x128xf32, #tpu.memory_space<hbm>> -> memref<632x128xf32, #tpu.memory_space<hbm>>
      %dma_start3A_195 = arith.constant 0 : i32
      %dma_start3A_196 = tpu.memref_slice %arg8[%mul3A_188, %dma_start3A_195] : memref<10112x128xf32, #tpu.memory_space<vmem_shared>> -> memref<632x128xf32, #tpu.memory_space<vmem_shared>>
      tpu.enqueue_dma source(%dma_start3A_196 : memref<632x128xf32, #tpu.memory_space<vmem_shared>>) target(%dma_start3A_194 : memref<632x128xf32, #tpu.memory_space<hbm>>) target_semaphore(%run_scoped3A_191 : memref<!tpu.dma_semaphore, #tpu.memory_space<semaphore_mem>>)
      %dma_wait3A_197 = arith.constant 0 : i32
      %dma_wait3A_198 = tpu.memref_slice %arg5[%arg0, %mul3A_190, %dma_wait3A_197] : memref<2x10112x128xf32, #tpu.memory_space<hbm>> -> memref<1x632x128xf32, #tpu.memory_space<hbm>>
      %dma_wait3A_199 = tpu.memref_squeeze %dma_wait3A_198 : memref<1x632x128xf32, #tpu.memory_space<hbm>> -> memref<632x128xf32, #tpu.memory_space<hbm>>
      %dma_wait3A_200 = arith.constant 0 : i32
      %dma_wait3A_201 = tpu.memref_slice %arg8[%mul3A_188, %dma_wait3A_200] : memref<10112x128xf32, #tpu.memory_space<vmem_shared>> -> memref<632x128xf32, #tpu.memory_space<vmem_shared>>
      tpu.wait_dma2 semaphore(%run_scoped3A_191 : memref<!tpu.dma_semaphore, #tpu.memory_space<semaphore_mem>>) src(%dma_wait3A_201 : memref<632x128xf32, #tpu.memory_space<vmem_shared>>) dst(%dma_wait3A_199 : memref<632x128xf32, #tpu.memory_space<hbm>>)
      tpu.yield
    }) : () -> ()
    return
  }
}

module attributes {stable_mosaic.version = 14 : i64} {
  func.func @_mlp_body(%arg0: i32, %arg1: memref<1000x128xf32, #tpu.memory_space<vmem>>, %arg2: memref<128x128xf32, #tpu.memory_space<vmem>>, %arg3: memref<1x128xf32, #tpu.memory_space<vmem>>, %arg4: memref<128x128xf32, #tpu.memory_space<vmem>>, %arg5: memref<1x128xf32, #tpu.memory_space<vmem>>, %arg6: memref<1000x128xf32, #tpu.memory_space<vmem>>) attributes {dimension_semantics = [#tpu.dimension_semantics<arbitrary>], iteration_bounds = array<i64: 10>, scalar_prefetch = 0 : i64, scratch_operands = 0 : i64, tpu.core_type = #tpu.core_type<tc>, window_params = [{transform_indices = @transform_0, window_bounds = array<i64: 1000, 128>}, {pipeline_mode = #tpu.pipeline_mode<synchronous>, transform_indices = @transform_1, window_bounds = array<i64: 128, 128>}, {pipeline_mode = #tpu.pipeline_mode<synchronous>, transform_indices = @transform_2, window_bounds = array<i64: 1, 128>}, {pipeline_mode = #tpu.pipeline_mode<synchronous>, transform_indices = @transform_3, window_bounds = array<i64: 128, 128>}, {pipeline_mode = #tpu.pipeline_mode<synchronous>, transform_indices = @transform_4, window_bounds = array<i64: 1, 128>}, {transform_indices = @transform_5, window_bounds = array<i64: 1000, 128>}]} {
    %get3A = arith.constant 0 : index
    %get3A_0 = arith.constant 0 : index
    %get3A_1 = vector.load %arg1[%get3A, %get3A_0] : memref<1000x128xf32, #tpu.memory_space<vmem>>, vector<1000x128xf32>
    %get3A_2 = arith.constant 0 : index
    %get3A_3 = arith.constant 0 : index
    %get3A_4 = vector.load %arg2[%get3A_2, %get3A_3] : memref<128x128xf32, #tpu.memory_space<vmem>>, vector<128x128xf32>
    %dot_general3A = arith.constant dense<0.000000e+00> : vector<1000x128xf32>
    %dot_general3A_5 = tpu.matmul %get3A_1, %get3A_4, %dot_general3A {dimension_numbers = #tpu.dot_dimension_numbers<[1], [0], [0], [1], [0, 0, 1, 1], [], []>, transpose_lhs_hint = false} : vector<1000x128xf32>, vector<128x128xf32>, vector<1000x128xf32> -> vector<1000x128xf32>
    %get3A_6 = arith.constant 0 : index
    %get3A_7 = arith.constant 0 : index
    %get3A_8 = vector.load %arg3[%get3A_6, %get3A_7] : memref<1x128xf32, #tpu.memory_space<vmem>>, vector<1x128xf32>
    %add3A = vector.broadcast %get3A_8 : vector<1x128xf32> to vector<1000x128xf32>
    %add3A_9 = arith.addf %dot_general3A_5, %add3A : vector<1000x128xf32>
    %get3A_10 = arith.constant 0 : index
    %get3A_11 = arith.constant 0 : index
    %get3A_12 = vector.load %arg4[%get3A_10, %get3A_11] : memref<128x128xf32, #tpu.memory_space<vmem>>, vector<128x128xf32>
    %dot_general3A_13 = arith.constant dense<0.000000e+00> : vector<1000x128xf32>
    %dot_general3A_14 = tpu.matmul %add3A_9, %get3A_12, %dot_general3A_13 {dimension_numbers = #tpu.dot_dimension_numbers<[1], [0], [0], [1], [0, 0, 1, 1], [], []>, transpose_lhs_hint = false} : vector<1000x128xf32>, vector<128x128xf32>, vector<1000x128xf32> -> vector<1000x128xf32>
    %get3A_15 = arith.constant 0 : index
    %get3A_16 = arith.constant 0 : index
    %get3A_17 = vector.load %arg5[%get3A_15, %get3A_16] : memref<1x128xf32, #tpu.memory_space<vmem>>, vector<1x128xf32>
    %add3A_18 = vector.broadcast %get3A_17 : vector<1x128xf32> to vector<1000x128xf32>
    %add3A_19 = arith.addf %dot_general3A_14, %add3A_18 : vector<1000x128xf32>
    %gt3A = arith.constant 0.000000e+00 : f32
    %gt3A_20 = vector.broadcast %gt3A : f32 to vector<1000x128xf32>
    %gt3A_21 = arith.cmpf ogt, %add3A_19, %gt3A_20 : vector<1000x128xf32>
    %min3A = arith.constant 0.000000e+00 : f32
    %min3A_22 = vector.broadcast %min3A : f32 to vector<1000x128xf32>
    %min3A_23 = arith.minimumf %add3A_19, %min3A_22 : vector<1000x128xf32>
    %exp3A = math.exp %min3A_23 : vector<1000x128xf32>
    %sub3A = arith.constant 1.000000e+00 : f32
    %sub3A_24 = vector.broadcast %sub3A : f32 to vector<1000x128xf32>
    %sub3A_25 = arith.subf %exp3A, %sub3A_24 : vector<1000x128xf32>
    %select_n3A = arith.select %gt3A_21, %add3A_19, %sub3A_25 : vector<1000x128xi1>, vector<1000x128xf32>
    %swap3A = arith.constant 0 : index
    %swap3A_26 = arith.constant 0 : index
    %swap3A_27 = vector.load %arg6[%swap3A, %swap3A_26] : memref<1000x128xf32, #tpu.memory_space<vmem>>, vector<1000x128xf32>
    tpu.vector_store %arg6[%swap3A, %swap3A_26], %select_n3A {strides = array<i32>} : memref<1000x128xf32, #tpu.memory_space<vmem>>, vector<1000x128xf32>,
    return
  }
  func.func @transform_0(%arg0: i32) -> (i32, i32) {
    %c0_i32 = arith.constant 0 : i32
    %c0_i32_0 = arith.constant 0 : i32
    return %arg0, %c0_i32 : i32, i32
  }
  func.func @transform_1(%arg0: i32) -> (i32, i32) {
    %c0_i32 = arith.constant 0 : i32
    %c0_i32_0 = arith.constant 0 : i32
    %c0_i32_1 = arith.constant 0 : i32
    return %c0_i32, %c0_i32_0 : i32, i32
  }
  func.func @transform_2(%arg0: i32) -> (i32, i32) {
    %c0_i32 = arith.constant 0 : i32
    %c0_i32_0 = arith.constant 0 : i32
    %c0_i32_1 = arith.constant 0 : i32
    return %c0_i32, %c0_i32_0 : i32, i32
  }
  func.func @transform_3(%arg0: i32) -> (i32, i32) {
    %c0_i32 = arith.constant 0 : i32
    %c0_i32_0 = arith.constant 0 : i32
    %c0_i32_1 = arith.constant 0 : i32
    return %c0_i32, %c0_i32_0 : i32, i32
  }
  func.func @transform_4(%arg0: i32) -> (i32, i32) {
    %c0_i32 = arith.constant 0 : i32
    %c0_i32_0 = arith.constant 0 : i32
    %c0_i32_1 = arith.constant 0 : i32
    return %c0_i32, %c0_i32_0 : i32, i32
  }
  func.func @transform_5(%arg0: i32) -> (i32, i32) {
    %c0_i32 = arith.constant 0 : i32
    %c0_i32_0 = arith.constant 0 : i32
    return %arg0, %c0_i32 : i32, i32
  }
}

module attributes {stable_mosaic.version = 14 : i64} {
  func.func @_add_body(%arg0: i32, %arg1: memref<2x1000x128xf32, #tpu.memory_space<vmem>>, %arg2: memref<1000x128xf32, #tpu.memory_space<vmem>>) attributes {dimension_semantics = [#tpu.dimension_semantics<arbitrary>], iteration_bounds = array<i64: 10>, scalar_prefetch = 0 : i64, scratch_operands = 0 : i64, tpu.core_type = #tpu.core_type<tc>, window_params = [{transform_indices = @transform_0, window_bounds = array<i64: 2, 1000, 128>}, {transform_indices = @transform_1, window_bounds = array<i64: 1000, 128>}]} {
    %get3A = arith.constant 0 : index
    %get3A_0 = arith.constant 0 : index
    %get3A_1 = arith.constant 0 : index
    %get3A_2 = vector.load %arg1[%get3A, %get3A_0, %get3A_1] : memref<2x1000x128xf32, #tpu.memory_space<vmem>>, vector<1x1000x128xf32>
    %get3A_3 = vector.shape_cast %get3A_2 : vector<1x1000x128xf32> to vector<1000x128xf32>
    %get3A_4 = arith.constant 1 : index
    %get3A_5 = arith.constant 0 : index
    %get3A_6 = arith.constant 0 : index
    %get3A_7 = vector.load %arg1[%get3A_4, %get3A_5, %get3A_6] : memref<2x1000x128xf32, #tpu.memory_space<vmem>>, vector<1x1000x128xf32>
    %get3A_8 = vector.shape_cast %get3A_7 : vector<1x1000x128xf32> to vector<1000x128xf32>
    %add3A = arith.addf %get3A_3, %get3A_8 : vector<1000x128xf32>
    %swap3A = arith.constant 0 : index
    %swap3A_9 = arith.constant 0 : index
    %swap3A_10 = vector.load %arg2[%swap3A, %swap3A_9] : memref<1000x128xf32, #tpu.memory_space<vmem>>, vector<1000x128xf32>
    tpu.vector_store %arg2[%swap3A, %swap3A_9], %add3A {strides = array<i32>} : memref<1000x128xf32, #tpu.memory_space<vmem>>, vector<1000x128xf32>,
    return
  }
  func.func @transform_0(%arg0: i32) -> (i32, i32, i32) {
    %c0_i32 = arith.constant 0 : i32
    %c0_i32_0 = arith.constant 0 : i32
    %c0_i32_1 = arith.constant 0 : i32
    return %c0_i32, %arg0, %c0_i32_0 : i32, i32, i32
  }
  func.func @transform_1(%arg0: i32) -> (i32, i32) {
    %c0_i32 = arith.constant 0 : i32
    %c0_i32_0 = arith.constant 0 : i32
    return %arg0, %c0_i32 : i32, i32
  }
}

</mosaic_0001>

<sc_bundles>
// kernel: kernel.5.cloned.1.call-start
scs
__scs_entry_jumppad:
0x0: {  	(pc) =	sbr.rel $0x88, $3  }
0x1: {  	(tag) =	ssettag $0x0;
	lr =	simm.s32 $0x1  }
0x2: {  	[smem:$0x3F9B] =	sst lr;
	_ =	strace $0xD0000000  }
0x3: {  	_ = 	snop  }
0x4: {  	_ = 	snop  }
0x5: {  	_ = 	snop  }
0x6: {  	_ = 	snop  }
0x7: {  	_ = 	snop  }
__scs_overlays_trampoline_lowered:
0x8: {  	[smem:$0x3FAA] =	sst s0  }
0x9: {  	[smem:$0x3FAB] =	sst s1  }
0xa: {  	[smem:$0x3FAC] =	sst s2  }
0xb: {  	[smem:$0x3FAD] =	sst s3  }
0xc: {  	[smem:$0x3FAE] =	sst s4  }
0xd: {  	[smem:$0x3FAF] =	sst s5  }
0xe: {  	[smem:$0x3FB0] =	sst s6  }
0xf: {  	[smem:$0x3FB1] =	sst s7  }
0x10: {  	[smem:$0x3FB2] =	sst s8  }
0x11: {  	[smem:$0x3FB3] =	sst s9;
	s0 =	simm.s32 @!p0 $0x0  }
0x12: {  	s1 =	sld [smem:$0x3F99];
	s0 =	simm.s32 @p0 $0x1  }
0x13: {  	[smem:$0x3FB4] =	sst s0;
	s0 =	simm.s32 @!p1 $0x0  }
0x14: {  	s2 =	sld [smem:$0x3F98];
	s0 =	simm.s32 @p1 $0x1  }
0x15: {  	[smem:$0x3FB5] =	sst s0;
	s0 =	simm.s32 @!p2 $0x0  }
0x16: {  	s3 =	sld [smem:$0x3FDB];
	s0 =	simm.s32 @p2 $0x1  }
0x17: {  	s4 =	simm.s32 $0x1BF5;
	[smem:$0x3FB7] =	sst s0  }
0x18: {  	s0 =	sld [smem:$0x3F9A];
	_ =	swait.ge [sflag:s4], $0x0  }
0x19: {  	s7 =	sld [smem:$0x3F9B]  }
0x1a: {  	s8 =	sadd.s32 $0xFFFFE003, lr  }
0x1b: {  	s9 =	sadd.s32 $0xFFFFFEF7, lr;
	s5 =	simm.s32 $0xFFFFFFFF;
	p2 =	slt.u32 s8, $0xFFFFF086  }
0x1c: {  	p1 =	slt.u32 s9, $0xF7A;
	s5 =	simm.s32 @!p2 $0x0  }
0x1d: {  	s5 =	simm.s32 @p1 $0x1;
	p0 =	seq.s32 s7, s2  }
0x1e: {  	s7 =	smul.u32 @!p0 $0xF7A, s2;
	p2 =	seq.s32 @!p0 s5, $0x0  }
0x1f: {  	s9 =	smul.u32 $0xF7A, s1;
	s8 =	simm.s32 @!p0 $0x1BF5;
	p2 =	por !p2, p0  }
0x20: {  	[sflag:s8] =	ssyncset.s32 @!p0 $0xFFFFF086;
	s6 =	sadd.s32 @!p0 s3, s7;
	s7 =	simm.s32 @!p0 $0x108  }
0x21: {  	s3 =	sadd.s32 s3, s9;
	s6 =	sadd.s32 @!p0 $0x88, s6;
	s7 =	simm.s32 @p2 $0x1082  }
0x22: {  	[simem:s7], [sflag:s8] =	dma.local @!p0 [hbm:s6], $0xF7A  }
0x23: {  	s9 =	sor.u32 $0xD0000000, s2;
	s6 =	simm.s32 $0x108;
	_ =	swait.ge @!p0 [sflag:s8], $0x0  }
0x24: {  	s3 =	sadd.s32 $0x88, s3;
	s6 =	simm.s32 @!p1 $0x1082;
	[sflag:s4] =	ssyncset.s32 $0xFFFFF086  }
0x25: {  	[simem:s6], [sflag:s4] =	dma.local [hbm:s3], $0xF7A  }
0x26: {  	[smem:$0x3F9B] =	sst s1;
	(tag) =	ssettag s2;
	_ =	strace s9  }
0x27: {  	s1 =	sld [smem:$0x3FAB]  }
0x28: {  	s2 =	sld [smem:$0x3FAC]  }
0x29: {  	s4 =	sld [smem:$0x3FAE]  }
0x2a: {  	p0 =	seq.s32 s5, $0x0;
	s5 =	sld [smem:$0x3FAF]  }
0x2b: {  	s6 =	sld [smem:$0x3FB0]  }
0x2c: {  	s7 =	sld [smem:$0x3FB1]  }
0x2d: {  	s3 =	simm.s32 $0x108;
	s8 =	sld [smem:$0x3FB2]  }
0x2e: {  	s3 =	simm.s32 @!p0 $0x1082;
	s9 =	sld [smem:$0x3FB3]  }
0x2f: {  	lr =	sadd.s32 s0, s3;
	s0 =	sld [smem:$0x3FAA]  }
0x30: {  	s3 =	sld [smem:$0x3FAD]  }
0x31: {  	[smem:$0x3FB6] =	sst s10  }
0x32: {  	s10 =	sld [smem:$0x3FB4];
	_ =	sdelay $0x3  }
0x33: {  	p0 =	seq.s32 s10, $0x1;
	s10 =	sld [smem:$0x3FB6];
	_ =	sdelay $0x3  }
0x34: {  	[smem:$0x3FB6] =	sst s10  }
0x35: {  	s10 =	sld [smem:$0x3FB5];
	_ =	sdelay $0x3  }
0x36: {  	p1 =	seq.s32 s10, $0x1;
	s10 =	sld [smem:$0x3FB6];
	_ =	sdelay $0x3  }
0x37: {  	[smem:$0x3FB6] =	sst s10  }
0x38: {  	s10 =	sld [smem:$0x3FB7]  }
0x39: {  	_ = 	snop;
	(pc) =	sbr.ind lr, $3  }
0x3a: {  	_ = 	snop  }
0x3b: {  	_ = 	snop  }
0x3c: {  	p2 =	seq.s32 s10, $0x1;
	s10 =	sld [smem:$0x3FB6]  }
0x3d: {  	_ =	shalt  }
0x3e: {  	_ =	shalt  }
0x3f: {  	_ =	shalt  }
0x40: {  	_ =	shalt  }
0x41: {  	_ =	shalt  }
0x42: {  	_ =	shalt  }
0x43: {  	_ =	shalt  }
0x44: {  	_ =	shalt  }
0x45: {  	_ =	shalt  }
0x46: {  	_ =	shalt  }
0x47: {  	_ =	shalt  }
0x48: {  	_ =	shalt  }
0x49: {  	_ =	shalt  }
0x4a: {  	_ =	shalt  }
0x4b: {  	_ =	shalt  }
0x4c: {  	_ =	shalt  }
0x4d: {  	_ =	shalt  }
0x4e: {  	_ =	shalt  }
0x4f: {  	_ =	shalt  }
0x50: {  	_ =	shalt  }
0x51: {  	_ =	shalt  }
0x52: {  	_ =	shalt  }
0x53: {  	_ =	shalt  }
0x54: {  	_ =	shalt  }
0x55: {  	_ =	shalt  }
0x56: {  	_ =	shalt  }
0x57: {  	_ =	shalt  }
0x58: {  	_ =	shalt  }
0x59: {  	_ =	shalt  }
0x5a: {  	_ =	shalt  }
0x5b: {  	_ =	shalt  }
0x5c: {  	_ =	shalt  }
0x5d: {  	_ =	shalt  }
0x5e: {  	_ =	shalt  }
0x5f: {  	_ =	shalt  }
0x60: {  	_ =	shalt  }
0x61: {  	_ =	shalt  }
0x62: {  	_ =	shalt  }
0x63: {  	_ =	shalt  }
0x64: {  	_ =	shalt  }
0x65: {  	_ =	shalt  }
0x66: {  	_ =	shalt  }
0x67: {  	_ =	shalt  }
0x68: {  	_ =	shalt  }
0x69: {  	_ =	shalt  }
0x6a: {  	_ =	shalt  }
0x6b: {  	_ =	shalt  }
0x6c: {  	_ =	shalt  }
0x6d: {  	_ =	shalt  }
0x6e: {  	_ =	shalt  }
0x6f: {  	_ =	shalt  }
0x70: {  	_ =	shalt  }
0x71: {  	_ =	shalt  }
0x72: {  	_ =	shalt  }
0x73: {  	_ =	shalt  }
0x74: {  	_ =	shalt  }
0x75: {  	_ =	shalt  }
0x76: {  	_ =	shalt  }
0x77: {  	_ =	shalt  }
0x78: {  	_ =	shalt  }
0x79: {  	_ =	shalt  }
0x7a: {  	_ =	shalt  }
0x7b: {  	_ =	shalt  }
0x7c: {  	_ =	shalt  }
0x7d: {  	_ =	shalt  }
0x7e: {  	_ =	shalt  }
0x7f: {  	_ =	shalt  }
0x80: {  	_ =	shalt  }
0x81: {  	_ =	shalt  }
0x82: {  	_ =	shalt  }
0x83: {  	_ =	shalt  }
0x84: {  	_ =	shalt  }
0x85: {  	_ =	shalt  }
0x86: {  	_ =	shalt  }
0x87: {  	_ =	shalt  }
.Lfunc_end0:
.L_simem_size_0:
called_computation_lowered:
.L_overlay_start_0:
0x88: {  	s2 =	sld [smem:$0x3FD9]  }
0x89: {  	s3 =	sld [smem:$0x3FFE];
	_ =	sdelay $0x1  }
0x8a: {  	s1 =	srdreg.scid  }
0x8b: {  	s0 =	sand.u32 $0x1, s1  }
0x8c: {  	s17 =	sshll.u32 s0, $0xA;
	s2 =	sadd.s32 s3, s2  }
0x8d: {  	s2 =	sadd.s32 s2, s17  }
0x8e: {  	[smem:$0x3FC2] =	sst s2  }
0x8f: {  	_ = 	snop  }
0x90: {  	s2 =	sld [smem:$0x3FD0];
	(tm) =	ssettm $0x1  }
0x91: {  	s18 =	sld [smem:$0x3FFB];
	_ =	sdelay $0x3  }
0x92: {  	_ =	strace s18  }
0x93: {  	s3 =	sld [smem:$0x3FFC];
	_ =	sdelay $0x3  }
0x94: {  	_ =	strace s3  }
0x95: {  	s3 =	sld [smem:$0x3FFD];
	_ =	sdelay $0x3  }
0x96: {  	_ =	strace s3  }
0x97: {  	_ =	strace $0x8FFFFFFF  }
0x98: {  	s19 =	sld [smem:$0x3FDB];
	_ =	sdelay $0x1  }
0x99: {  	s4 =	simm.s32 $_scs_section_size  }
0x9a: {  	s5 =	simm.s32 $_size__tile_overlayer_lowered;
	s6 =	simm.s32 $_tile_overlayer_lowered  }
0x9b: {  	s22 =	simm.s32 $0x1BFF;
	s21 =	sshll.u32 s6, $0x1;
	s3 =	sadd.s32 s4, s19  }
0x9c: {  	s7 =	simm.s32 $0x0;
	s20 =	sshll.u32 s5, $0x1;
	s5 =	sadd.s32 s21, s3  }
0x9d: {  	[timem:s7], [sflag:s22] =	dma.local [hbm:s5], s20  }
0x9e: {  	_ =	swait.ge [sflag:s22], s20  }
0x9f: {  	s4 =	ssub.s32 $0x0, s20;
	[sflag:s22] =	ssyncset.done $0x0  }
0xa0: {  	[sflag:s22] =	ssyncadd.s32 s4;
	_ =	sdelay $0x1  }
0xa1: {  	s23 =	simm.s32 $0x1B8B  }
0xa2: {  	_ =	swait.ge [sflag:s23], $0x1  }
0xa3: {  	[sflag:s23] =	ssyncset.done $0x0  }
0xa4: {  	s25 =	simm.s32 $0x1B8E;
	s24 =	sld [smem:$0x3FFE];
	[sflag:s23] =	ssyncadd.s32 $0xFFFFFFFF  }
0xa5: {  	s26 =	simm.s32 $execute0_lowered;
	[smem:$0x3FD2] =	sst s25  }
0xa6: {  	s5 =	sshll.u32 s26, $0x1;
	_ =	strace $0x80000046;
	[dreg:$0x1] =	wrdreg $0xFFFFFFFF  }
0xa7: {  	s28 =	simm.s32 $_size_execute0_lowered;
	s3 =	sadd.s32 s3, s5;
	[dreg:$0x0] =	wrdreg $0x0  }
0xa8: {  	s5 =	sshll.u32 s28, $0x1;
	[dreg:$0x2] =	wrdreg s3  }
0xa9: {  	[dreg:$0x3] =	wrdreg s5  }
0xaa: {  	[dreg:$0x4] =	wrdreg $0xC0  }
0xab: {  	_ =	task [dreg:s7], $0x5FFFF  }
0xac: {  	[dreg:$0x1] =	wrdreg $0xFFFFFFFF  }
0xad: {  	[dreg:$0x0] =	wrdreg $0x60  }
0xae: {  	[dreg:$0x2] =	wrdreg s2  }
0xaf: {  	[dreg:$0x3] =	wrdreg s24  }
0xb0: {  	[dreg:$0x4] =	wrdreg $0xA4000  }
0xb1: {  	[dreg:$0x5] =	wrdreg $0x9  }
0xb2: {  	_ =	task.clear_ibuf [dreg:s7], $0x6FFFF;
	_ =	strace $0x90000046  }
0xb3: {  	s29 =	simm.s32 $0x9;
	_ =	strace $0x80000048  }
0xb4: {  	_ =	swait.ge [sflag:s29], $0x1  }
0xb5: {  	[sflag:s29] =	ssyncadd.s32 $0xFFFFFFFF  }
0xb6: {  	_ =	strace $0x90000048  }
0xb7: {  	_ =	sfence  }
0xb8: {  	s30 =	sld [smem:$0x0];
	_ =	sdelay $0x2  }
0xb9: {  	s31 =	sshll.u32 s1, $0xD;
	s1 =	sshrl.u32 s1, $0x2  }
0xba: {  	s3 =	sand.u32 $0x4000, s31;
	s1 =	sadd.s32 s1, s30  }
0xbb: {  	s0 =	sor.u32 s3, s0;
	s1 =	sshll.u32 s1, $0x11  }
0xbc: {  	s0 =	sor.u32 s1, s0  }
0xbd: {  	s0 =	sadd.s32 $0x8F2B, s0  }
0xbe: {  	[sflag:s0] =	ssyncadd.remote.s32 $0x1  }
0xbf: {  	_ =	sfence.sel $0xFFFF  }
0xc0: {  	[dreg:$0x0] =	wrdreg $0xFFFFFFFF;
	(pc) =	sbr.abs _section_cstart, $3  }
0xc1: {  	[dreg:$0x1] =	wrdreg $0xFFFFFFFF  }
0xc2: {  	_ =	task.clear_ibuf [dreg:s7], $0x2FFFF;
	_ =	strace $0x9FFFFFFF  }
0xc3: {  	(tm) =	ssettm $0x7FFFFFFF  }
tec
execute0_lowered:
.L_overlay_start_1:
0x0: {  	(tag) =	ssettag $0x1  }
0x1: {  	s1 =	rddreg [dreg:$0x0]  }
0x2: {  	s0 =	rddreg [dreg:$0x1]  }
0x3: {  	s2 =	rddreg [dreg:$0x2]  }
0x4: {  	s3 =	srdreg.scid;
	s4 =	simm.s32 $0x0;
	s9 =	stileid.u32  }
0x5: {  	s28 =	simm.s32 $0x2C00;
	s29 =	simm.s32 $0x3;
	s30 =	simm.s32 $0x5400  }
0x6: {  	s31 =	simm.s32 $0x5;
	s12 =	simm.s32 $0x280;
	s13 =	simm.s32 $0x8  }
0x7: {  	s3 =	sand.u32 $0x1, s3;
	[smem:$0x7FF] =	sst s4;
	s7 =	smul.u32 $0x13C00, s9  }
0x8: {  	s16 =	sadd.s32 $0x20800, s0;
	s19 =	smul.u32 $0x4F000, s9;
	s22 =	sshll.u32 s9, $0x6  }
0x9: {  	s6 =	smul.u32 $0x13C000, s3;
	s5 =	sshll.u32 s3, $0x4;
	_ =	strace $0x80000047  }
0xa: {  	[dreg:$0x4] =	wrdreg s16;
	s17 =	ssub.s32 $0x2, s3;
	s3 =	smul.u32 $0x7D000, s3  }
0xb: {  	s11 =	sor.u32 $0x1C09, s22;
	s22 =	simm.s32 $0x9;
	s8 =	sor.u32 s9, s5  }
0xc: {  	s5 =	sadd.s32 $0x1400, s0;
	s9 =	smul.u32 $0x7D00, s9;
	s6 =	sadd.s32 s7, s6  }
0xd: {  	s18 =	sshrl.u32 s17, $0x1;
	s15 =	smul.u32 $0x7D00, s8;
	s6 =	sshrl.u32 s6, $0x3  }
0xe: {  	[dreg:$0x9] =	wrdreg s11;
	s24 =	sadd.s32 s9, s3;
	s0 =	sadd.s32 s6, s0  }
0xf: {  	s7 =	sshrl.u32 s15, $0x3;
	s6 =	ssub.s32 s17, s18;
	s3 =	sadd.s32 $0x700, s24  }
0x10: {  	s25 =	sadd.s32 $0x600, s24;
	s26 =	sadd.s32 $0x500, s24;
	s17 =	simm.s32 $0x0  }
0x11: {  	s10 =	sadd.s32 s5, s7;
	s7 =	sshrl.u32 s19, $0x2;
	s0 =	sadd.s32 $0x23000, s0  }
0x12: {  	s23 =	smax.u32 s6, $0x1;
	s3 =	sshrl.u32 s3, $0x3;
	s6 =	sshrl.u32 s25, $0x3  }
0x13: {  	s8 =	sshrl.u32 s26, $0x3;
	s19 =	simm.s32 $0x200;
	s25 =	simm.s32 $0x400  }
0x14: {  	s26 =	simm.s32 $0x2;
	s20 =	sadd.s32 $0x20, s10;
	[dreg:$0x5] =	wrdreg s10  }
0x15: {  	s21 =	sadd.s32 $0x40, s10;
	s10 =	sadd.s32 $0x60, s10;
	[dreg:$0xa] =	wrdreg s0  }
0x16: {  	s7 =	sadd.s32 s7, s2;
	[dreg:$0xb] =	wrdreg s23;
	s14 =	sadd.s32 s3, s5  }
0x17: {  	s15 =	sadd.s32 s6, s5;
	s16 =	sadd.s32 s8, s5;
	s0 =	sadd.s32 $0x400, s24  }
.Ltmp0:
0x18: {  	s23 =	simm.s32 $0x1;
	[dreg:$0x6] =	wrdreg s20;
	(pc) =	sbr.rel .LBB2_1-.Ltmp0, $4  }
0x19: {  	s24 =	simm.s32 $0x50;
	s3 =	simm.s32 $0x4;
	[dreg:$0x7] =	wrdreg s21  }
0x1a: {  	s6 =	simm.s32 $0x7C00;
	s8 =	simm.s32 $0x6;
	[dreg:$0x8] =	wrdreg s10  }
0x1b: {  	[dreg:$0xc] =	wrdreg s0;
	s20 =	simm.s32 $0x300;
	s0 =	sshrl.u32 s7, $0x3  }
0x1c: {  	s10 =	simm.s32 $0x7;
	s7 =	simm.s32 $0x380;
	[dreg:$0xd] =	wrdreg s0  }
.LBB2_4:
0x1d: {  	_ =	swait.ge [sflag:s13], $0x2800  }
0x1e: {  	[sflag:s13] =	ssyncset.done $0x0  }
0x1f: {  	[sflag:s13] =	ssyncadd.s32 $0xFFFFD800  }
0x20: {  	[spmem:s2] =	stream.indirect.scatter.add.f32 [tilespmem:s6], [sflag:$0x9], $0x80, s7, s24, $0xb8;
	[tilespmem:$0x1E000] =	vst v63  }
0x21: {  	_ =	swait.ge [sflag:s22], $0x2800  }
0x22: {  	[sflag:s22] =	ssyncset.done $0x0  }
0x23: {  	[sflag:s22] =	ssyncadd.s32 $0xFFFFD800  }
0x24: {  	_ =	swait.ge [sflag:s31], $0x2800  }
0x25: {  	[sflag:s31] =	ssyncset.done $0x0  }
0x26: {  	s0 =	simm.s32 $0x80;
	[sflag:s31] =	ssyncadd.s32 $0xFFFFD800  }
0x27: {  	[spmem:s2] =	stream.indirect.scatter.add.f32 [tilespmem:s25], [sflag:$0x9], $0x80, s0, s24, $0xb8;
	[tilespmem:$0x1E000] =	vst v63  }
0x28: {  	_ =	swait.ge [sflag:s22], $0x2800  }
0x29: {  	[sflag:s22] =	ssyncset.done $0x0  }
0x2a: {  	[sflag:s22] =	ssyncadd.s32 $0xFFFFD800  }
0x2b: {  	[bflag:$0x0] =	sbarrier.arrive $0xFFFF  }
0x2c: {  	[bflag:$0x0] =	sbarrier.arrive $0xFFFF  }
0x2d: {  	s11 =	rddreg [dreg:$0x9]  }
0x2e: {  	s9 =	rddreg [dreg:$0xa]  }
0x2f: {  	s0 =	rddreg [dreg:$0xd]  }
0x30: {  	[hbm:s9], [sflag:s11] =	dma.local [spmem:s0], $0x2780  }
0x31: {  	_ =	swait.ge [sflag:s22], $0x2780  }
0x32: {  	s17 =	rddreg [dreg:$0xe]  }
0x33: {  	s21 =	rddreg [dreg:$0xb];
	s17 =	sadd.s32 $0x1, s17  }
0x34: {  	p0 =	sne.s32 s17, s21  }
.Ltmp1:
0x35: {  	_ = 	snop;
	(pc) =	sbr.rel @!p0 .LBB2_5-.Ltmp1, $3  }
0x36: {  	_ =	sdelay $0x1  }
0x37: {  	[sflag:s22] =	ssyncset.done $0x0  }
0x38: {  	[sflag:s22] =	ssyncadd.s32 $0xFFFFD880  }
.LBB2_1:
0x39: {  	[dreg:$0xe] =	wrdreg s17  }
0x3a: {  	s9 =	rddreg [dreg:$0x5]  }
0x3b: {  	s18 =	rddreg [dreg:$0x6]  }
0x3c: {  	[tilespmem:s4], [sflag:$0x1] =	stream.linear.gather [hbm4b:s9+s4], $0x100, $0x38;
	[tilespmem:$0x1E000] =	vst v63  }
0x3d: {  	s17 =	simm.s32 $0x100;
	s21 =	rddreg [dreg:$0x7]  }
0x3e: {  	[tilespmem:s17], [sflag:$0x2] =	stream.linear.gather [hbm4b:s18+s4], $0x100, $0x38;
	[tilespmem:$0x1E000] =	vst v63  }
0x3f: {  	s18 =	rddreg [dreg:$0x8]  }
0x40: {  	[tilespmem:s19], [sflag:$0x3] =	stream.linear.gather [hbm4b:s21+s4], $0x100, $0x38;
	[tilespmem:$0x1E000] =	vst v63  }
0x41: {  	s21 =	rddreg [dreg:$0x4]  }
0x42: {  	[tilespmem:s20], [sflag:$0x4] =	stream.linear.gather [hbm4b:s18+s4], $0x100, $0x38;
	[tilespmem:$0x1E000] =	vst v63  }
0x43: {  	[spmem:s0], [sflag:s11] =	dma.local [hbm:s21], $0x2780  }
0x44: {  	_ =	swait.ge [sflag:s22], $0x2780  }
0x45: {  	[sflag:s22] =	ssyncset.done $0x0  }
0x46: {  	[sflag:s22] =	ssyncadd.s32 $0xFFFFD880  }
0x47: {  	[bflag:$0x0] =	sbarrier.arrive $0xFFFF  }
0x48: {  	_ =	swait.ge [sflag:s23], $0x100  }
0x49: {  	[sflag:s23] =	ssyncset.done $0x0  }
0x4a: {  	[sflag:s23] =	ssyncadd.s32 $0xFFFFFF00  }
0x4b: {  	[tilespmem:s25], [sflag:$0x5] =	stream.indirect.gather [hbm4b:s1+s24], $0x80, s4, s24, $0xb8;
	[tilespmem:$0x1E000] =	vst v63  }
0x4c: {  	_ =	swait.ge [sflag:s26], $0x100  }
0x4d: {  	[sflag:s26] =	ssyncset.done $0x0  }
0x4e: {  	[sflag:s26] =	ssyncadd.s32 $0xFFFFFF00  }
0x4f: {  	[tilespmem:s28], [sflag:$0x6] =	stream.indirect.gather [hbm4b:s1+s24], $0x80, s17, s24, $0xb8;
	[tilespmem:$0x1E000] =	vst v63  }
0x50: {  	_ =	swait.ge [sflag:s29], $0x100  }
0x51: {  	s0 =	simm.s32 $0x100;
	[sflag:s29] =	ssyncset.done $0x0  }
0x52: {  	s21 =	simm.s32 $0x0;
	s11 =	rddreg [dreg:$0xc];
	[sflag:s29] =	ssyncadd.s32 $0xFFFFFF00  }
0x53: {  	[tilespmem:s30], [sflag:$0x7] =	stream.indirect.gather [hbm4b:s1+s24], $0x80, s19, s24, $0xb8;
	[tilespmem:$0x1E000] =	vst v63  }
.LBB2_2:
0x54: {  	_ =	swait.ge [sflag:s31], $0x2800  }
0x55: {  	[sflag:s31] =	ssyncset.done $0x0  }
0x56: {  	s9 =	simm.s32 $0x80;
	[sflag:s31] =	ssyncadd.s32 $0xFFFFD800  }
0x57: {  	[spmem:s2] =	stream.indirect.scatter.add.f32 [tilespmem:s25], [sflag:$0x9], $0x80, s9, s24, $0xb8;
	[tilespmem:$0x1E000] =	vst v63  }
0x58: {  	_ =	swait.ge [sflag:s22], $0x2800  }
0x59: {  	s17 =	sshrl.u32 s11, $0x3;
	[sflag:s22] =	ssyncset.done $0x0  }
0x5a: {  	s17 =	sadd.s32 s5, s17;
	[sflag:s22] =	ssyncadd.s32 $0xFFFFD800  }
0x5b: {  	[tilespmem:s4], [sflag:$0x1] =	stream.linear.gather [hbm4b:s17+s4], $0x100, $0x38;
	[tilespmem:$0x1E000] =	vst v63  }
0x5c: {  	_ =	swait.ge [sflag:s3], $0x100  }
0x5d: {  	[sflag:s3] =	ssyncset.done $0x0  }
0x5e: {  	[sflag:s3] =	ssyncadd.s32 $0xFFFFFF00  }
0x5f: {  	[tilespmem:s6], [sflag:$0x8] =	stream.indirect.gather [hbm4b:s1+s24], $0x80, s20, s24, $0xb8;
	[tilespmem:$0x1E000] =	vst v63  }
0x60: {  	_ =	swait.ge [sflag:s8], $0x2800  }
0x61: {  	[sflag:s8] =	ssyncset.done $0x0  }
0x62: {  	s18 =	simm.s32 $0x180;
	[sflag:s8] =	ssyncadd.s32 $0xFFFFD800  }
0x63: {  	[spmem:s2] =	stream.indirect.scatter.add.f32 [tilespmem:s28], [sflag:$0x9], $0x80, s18, s24, $0xb8;
	[tilespmem:$0x1E000] =	vst v63  }
0x64: {  	p0 =	seq.s32 s21, $0xF00;
	_ =	swait.ge [sflag:s22], $0x2800  }
0x65: {  	s9 =	simm.s32 @!p0 $0x100;
	[sflag:s22] =	ssyncset.done $0x0  }
0x66: {  	s17 =	sadd.s32 @!p0 s21, s16;
	s18 =	simm.s32 @!p0 $0x0;
	[sflag:s22] =	ssyncadd.s32 $0xFFFFD800  }
0x67: {  	[tilespmem:s9], [sflag:$0x2] =	stream.linear.gather @!p0 [hbm4b:s17+s18], $0x100, $0x38;
	[tilespmem:$0x1E000] =	vst v63  }
0x68: {  	_ =	swait.ge [sflag:s23], $0x100  }
0x69: {  	[sflag:s23] =	ssyncset.done $0x0  }
0x6a: {  	[sflag:s23] =	ssyncadd.s32 $0xFFFFFF00  }
0x6b: {  	[tilespmem:s25], [sflag:$0x5] =	stream.indirect.gather [hbm4b:s1+s24], $0x80, s4, s24, $0xb8;
	[tilespmem:$0x1E000] =	vst v63  }
0x6c: {  	_ =	swait.ge [sflag:s10], $0x2800  }
0x6d: {  	[sflag:s10] =	ssyncset.done $0x0  }
.Ltmp2:
0x6e: {  	[sflag:s10] =	ssyncadd.s32 $0xFFFFD800;
	(pc) =	sbr.rel @p0 .LBB2_4-.Ltmp2, $4  }
0x6f: {  	[spmem:s2] =	stream.indirect.scatter.add.f32 [tilespmem:s30], [sflag:$0x9], $0x80, s12, s24, $0xb8;
	[tilespmem:$0x1E000] =	vst v63  }
0x70: {  	_ =	swait.ge [sflag:s22], $0x2800  }
0x71: {  	[sflag:s22] =	ssyncset.done $0x0  }
0x72: {  	[sflag:s22] =	ssyncadd.s32 $0xFFFFD800  }
0x73: {  	s9 =	sadd.s32 s21, s15  }
0x74: {  	[tilespmem:s19], [sflag:$0x3] =	stream.linear.gather [hbm4b:s9+s4], $0x100, $0x38;
	[tilespmem:$0x1E000] =	vst v63  }
0x75: {  	_ =	swait.ge [sflag:s26], $0x100  }
0x76: {  	[sflag:s26] =	ssyncset.done $0x0  }
0x77: {  	[sflag:s26] =	ssyncadd.s32 $0xFFFFFF00  }
0x78: {  	[tilespmem:s28], [sflag:$0x6] =	stream.indirect.gather [hbm4b:s1+s24], $0x80, s0, s24, $0xb8;
	[tilespmem:$0x1E000] =	vst v63  }
0x79: {  	_ =	swait.ge [sflag:s13], $0x2800  }
0x7a: {  	[sflag:s13] =	ssyncset.done $0x0  }
0x7b: {  	[sflag:s13] =	ssyncadd.s32 $0xFFFFD800  }
0x7c: {  	[spmem:s2] =	stream.indirect.scatter.add.f32 [tilespmem:s6], [sflag:$0x9], $0x80, s7, s24, $0xb8;
	[tilespmem:$0x1E000] =	vst v63  }
0x7d: {  	_ =	swait.ge [sflag:s22], $0x2800  }
0x7e: {  	[sflag:s22] =	ssyncset.done $0x0  }
0x7f: {  	s18 =	sadd.s32 s21, s14;
	[sflag:s22] =	ssyncadd.s32 $0xFFFFD800  }
0x80: {  	[tilespmem:s20], [sflag:$0x4] =	stream.linear.gather [hbm4b:s18+s4], $0x100, $0x38;
	[tilespmem:$0x1E000] =	vst v63  }
.Ltmp3:
0x81: {  	_ = 	snop;
	(pc) =	sbr.rel .LBB2_2-.Ltmp3, $4  }
0x82: {  	_ =	swait.ge [sflag:s29], $0x100  }
0x83: {  	[sflag:s29] =	ssyncset.done $0x0  }
0x84: {  	s21 =	sadd.s32 $0x80, s21;
	s11 =	sadd.s32 $0x400, s11;
	[sflag:s29] =	ssyncadd.s32 $0xFFFFFF00  }
0x85: {  	[tilespmem:s30], [sflag:$0x7] =	stream.indirect.gather [hbm4b:s1+s24], $0x80, s19, s24, $0xb8;
	[tilespmem:$0x1E000] =	vst v63  }
.LBB2_5:
0x86: {  	_ =	sfence.sel $0x180000  }
0x87: {  	[bflag:$0x0] =	sbarrier.arrive $0xFFFF  }
0x88: {  	_ =	strace $0x90000047  }
0x89: {  	s0 =	stileid.u32;
	[bflag:$0x2] =	sbarrier.arrive $0xFFFF  }
0x8a: {  	p0 =	sne.s32 s0, $0x0;
	s0 =	rddreg [dreg:$0x3]  }
0x8b: {  	s0 =	sadd.s32 @!p0 $0x100000, s0  }
0x8c: {  	[sflag:s0] =	ssyncadd.tile.s32 @!p0 $0x1;
	_ =	shalt  }
.Lfunc_end2:
_tile_overlayer_lowered:
.L_overlay_start_2:
0x8d: {  	(tag) =	ssettag $0x2  }
0x8e: {  	s0 =	rddreg [dreg:$0x0];
	s2 =	stileid.u32  }
0x8f: {  	s1 =	rddreg [dreg:$0x1];
	p0 =	sne.s32 s2, $0x0  }
0x90: {  	s3 =	rddreg [dreg:$0x2];
	[bflag:$0x3] =	sbarrier.arrive $0xFFFF;
	s2 =	simm.s32 @!p0 $0x1C09  }
0x91: {  	[timem:s3], [sflag:s2] =	dma.local @!p0 [hbm:s0], s1  }
0x92: {  	s0 =	simm.s32 @!p0 $0x9  }
0x93: {  	_ =	swait.ge @!p0 [sflag:s0], s1  }
0x94: {  	s1 =	ssub.s32 @!p0 $0x0, s1;
	[sflag:s0] =	ssyncset.done @!p0 $0x0  }
0x95: {  	[sflag:s0] =	ssyncadd.s32 @!p0 s1  }
0x96: {  	[bflag:$0x3] =	sbarrier.arrive $0xFFFF  }
0x97: {  	_ =	shalt  }

</sc_bundles>
